<compile_context>
chip_gen: v7x
topology: tpu7x:2x2x1
jax: 0.10.2.dev20260603
libtpu: 0.0.44.dev20260713+nightly
codegen_flags: <defaults>
</compile_context>

<pallas_src>
import functools

import jax
import jax.numpy as jnp
from jax import lax
from jax.experimental import pallas as pl
from jax.experimental.pallas import tpu as pltpu
from jax.experimental.pallas import tpu_sc as plsc

TS = 512


def _make_sc_gather(vocab, dim, n_idx):
    info = plsc.get_sparse_core_info()
    nc, ns = info.num_cores, info.num_subcores
    nw = nc * ns
    per_w = n_idx // nw
    ch = min(32, per_w)
    chunks = per_w // ch
    mesh = plsc.VectorSubcoreMesh(core_axis_name="c", subcore_axis_name="s")

    @functools.partial(
        pl.kernel,
        mesh=mesh,
        out_type=jax.ShapeDtypeStruct((n_idx, dim), jnp.float32),
        scratch_types=[
            pltpu.VMEM((ch,), jnp.int32),
            pltpu.VMEM((ch, dim), jnp.float32),
            pltpu.SemaphoreType.DMA,
        ],
    )
    def gather(table_hbm, idx_hbm, out_hbm, idx_v, rows_v, sem):
        wid = lax.axis_index("s") * nc + lax.axis_index("c")
        for c in range(chunks):
            base = wid * per_w + c * ch
            pltpu.sync_copy(idx_hbm.at[pl.ds(base, ch)], idx_v)
            pltpu.async_copy(table_hbm.at[idx_v], rows_v, sem).wait()
            pltpu.sync_copy(rows_v, out_hbm.at[pl.ds(base, ch)])

    return gather


def _proj_body(img_ref, aud_ref, wi_ref, bi_ref, wa_ref, ba_ref, out_ref):
    out_ref[...] = (
        jnp.dot(img_ref[...], wi_ref[...], preferred_element_type=jnp.float32)
        + jnp.dot(aud_ref[...], wa_ref[...], preferred_element_type=jnp.float32)
        + bi_ref[...]
        + ba_ref[...]
    )


def _moe_body(text_ref, ma_ref, wg_ref, bg_ref, wx_ref, be_ref, out_ref):
    b = pl.program_id(0)
    ma = jnp.where(b == 0, ma_ref[0:1, :], ma_ref[1:2, :])
    x = text_ref[0] + ma
    logits = jnp.dot(x, wg_ref[...], preferred_element_type=jnp.float32)
    logits = logits + bg_ref[...]
    m = jnp.max(logits, axis=-1, keepdims=True)
    e = jnp.exp(logits - m)
    gate = e / jnp.sum(e, axis=-1, keepdims=True)
    xb = x.astype(jnp.bfloat16)
    acc = jnp.dot(gate, be_ref[...], preferred_element_type=jnp.float32)
    for n in range(wx_ref.shape[0]):
        mm = jnp.dot(xb, wx_ref[n], preferred_element_type=jnp.float32)
        acc = acc + gate[:, n : n + 1] * mm
    out_ref[0] = acc


def kernel(text_input, image_input, audio_input, emb_table, W_img, b_img,
           W_aud, b_aud, W_gate, b_gate, W_exp, b_exp):
    bsz, seq = text_input.shape
    vocab, emb = emb_table.shape
    nexp = W_exp.shape[0]

    idx = text_input.reshape(-1).astype(jnp.int32)
    text = _make_sc_gather(vocab, emb, bsz * seq)(emb_table, idx)
    text = text.reshape(bsz, seq, emb)

    ma = pl.pallas_call(
        _proj_body,
        out_shape=jax.ShapeDtypeStruct((bsz, emb), jnp.float32),
    )(image_input, audio_input, W_img, b_img.reshape(1, emb),
      W_aud, b_aud.reshape(1, emb))

    wx_bf16 = W_exp.astype(jnp.bfloat16)

    out = pl.pallas_call(
        _moe_body,
        grid=(bsz, seq // TS),
        compiler_params=pltpu.CompilerParams(
            vmem_limit_bytes=48 * 1024 * 1024,
        ),
        in_specs=[
            pl.BlockSpec((1, TS, emb), lambda b, s: (b, s, 0)),
            pl.BlockSpec((bsz, emb), lambda b, s: (0, 0)),
            pl.BlockSpec((emb, nexp), lambda b, s: (0, 0)),
            pl.BlockSpec((1, nexp), lambda b, s: (0, 0)),
            pl.BlockSpec((nexp, emb, emb), lambda b, s: (0, 0, 0)),
            pl.BlockSpec((nexp, emb), lambda b, s: (0, 0)),
        ],
        out_specs=pl.BlockSpec((1, TS, emb), lambda b, s: (b, s, 0)),
        out_shape=jax.ShapeDtypeStruct((bsz, seq, emb), jnp.float32),
    )(text, ma, W_gate, b_gate.reshape(1, nexp), wx_bf16, b_exp)
    return out

# --- scband reference (transcript-rebuilt; emitter-appended) ---
"""Pipeline reference for scband-loofyloo-prime-42494406426837 (READ-ONLY COPY).

The authoritative reference and input builder live on the scoring server;
editing this copy changes nothing except your own understanding.
"""

import jax, jax.numpy as jnp
import numpy as np

VOCAB = 100000
EMBED = 1024
NEXP = 8
B = 2
S = 2048
IMG_DIM = 2048
AUD_DIM = 1024


def setup_inputs(seed: int = 0) -> dict:
    key = jax.random.key(seed)
    ks = jax.random.split(key, 12)
    text_input = jax.random.randint(ks[0], (B, S), 0, VOCAB)
    image_input = jax.random.normal(ks[1], (B, IMG_DIM), dtype=jnp.float32)
    audio_input = jax.random.normal(ks[2], (B, AUD_DIM), dtype=jnp.float32)
    # Learned parameters
    emb_table = jax.random.normal(ks[3], (VOCAB, EMBED), dtype=jnp.float32) * 0.02
    W_img = jax.random.normal(ks[4], (IMG_DIM, EMBED), dtype=jnp.float32) * (1.0 / np.sqrt(IMG_DIM))
    b_img = jnp.zeros((EMBED,), dtype=jnp.float32)
    W_aud = jax.random.normal(ks[5], (AUD_DIM, EMBED), dtype=jnp.float32) * (1.0 / np.sqrt(AUD_DIM))
    b_aud = jnp.zeros((EMBED,), dtype=jnp.float32)
    W_gate = jax.random.normal(ks[6], (EMBED, NEXP), dtype=jnp.float32) * (1.0 / np.sqrt(EMBED))
    b_gate = jnp.zeros((NEXP,), dtype=jnp.float32)
    W_exp = jax.random.normal(ks[7], (NEXP, EMBED, EMBED), dtype=jnp.float32) * (1.0 / np.sqrt(EMBED))
    b_exp = jnp.zeros((NEXP, EMBED), dtype=jnp.float32)
    return {
        'text_input': text_input,
        'image_input': image_input,
        'audio_input': audio_input,
        'emb_table': emb_table,
        'W_img': W_img, 'b_img': b_img,
        'W_aud': W_aud, 'b_aud': b_aud,
        'W_gate': W_gate, 'b_gate': b_gate,
        'W_exp': W_exp, 'b_exp': b_exp,
    }


def reference(text_input, image_input, audio_input, emb_table, W_img, b_img,
              W_aud, b_aud, W_gate, b_gate, W_exp, b_exp):
    # MultimodalFoundation: token embedding gather + modality projections fused additively
    text = jnp.take(emb_table, text_input, axis=0)            # [B, S, E]
    img = image_input @ W_img + b_img                          # [B, E]
    aud = audio_input @ W_aud + b_aud                          # [B, E]
    x = text + img[:, None, :] + aud[:, None, :]               # [B, S, E]
    # MoELayer: softmax gate over experts, dense (soft) mixture of expert linears
    logits = x @ W_gate + b_gate                               # [B, S, NEXP]
    gate = jax.nn.softmax(logits, axis=-1)                     # [B, S, NEXP]
    expert_out = jnp.einsum('bse,nef->bsnf', x, W_exp) + b_exp[None, None, :, :]  # [B, S, NEXP, E]
    out = jnp.einsum('bsn,bsnf->bsf', gate, expert_out)        # [B, S, E]
    return out

if __name__ == "__main__":
    import jax
    _d = setup_inputs()
    print(jax.jit(kernel)(*tuple(_d.values())))

</pallas_src>

<mosaic_0001>
#map = affine_map<(d0, d1) -> (0, 0)>
#map1 = affine_map<(d0, d1) -> (0)>
module attributes {stable_mosaic.version = 14 : i64} {
  func.func @gather(%arg0: i32, %arg1: i32, %arg2: memref<100000x1024xf32, #tpu.memory_space<hbm>>, %arg3: memref<4096xi32, #tpu.memory_space<hbm>>, %arg4: memref<4096x1024xf32, #tpu.memory_space<hbm>>, %arg5: memref<32xi32, #tpu.memory_space<vmem>>, %arg6: memref<32x1024xf32, #tpu.memory_space<vmem>>, %arg7: memref<!tpu.dma_semaphore, #tpu.memory_space<semaphore_mem>>) attributes {dimension_semantics = [#tpu.dimension_semantics<core_parallel>, #tpu.dimension_semantics<subcore_parallel>], iteration_bounds = array<i64: 2, 16>, scalar_prefetch = 0 : i64, scratch_operands = 3 : i64, tpu.core_type = #tpu.core_type<sc_vector_subcore>, window_params = [{transform_indices = #map}, {transform_indices = #map1}, {transform_indices = #map}]} {
    %mul3A = arith.constant 2 : i32
    %mul3A_0 = arith.muli %arg1, %mul3A : i32
    %add3A = arith.addi %mul3A_0, %arg0 : i32
    %mul3A_1 = arith.constant 128 : i32
    %mul3A_2 = arith.muli %add3A, %mul3A_1 : i32
    %add3A_3 = arith.constant 0 : i32
    %add3A_4 = arith.addi %mul3A_2, %add3A_3 : i32
    "tpu.region"() ({
      %run_scoped3A = tpu.sem_alloc : memref<!tpu.dma_semaphore, #tpu.memory_space<semaphore_mem>>
      %dma_start3A_39 = tpu.memref_slice %arg3[%add3A_4] : memref<4096xi32, #tpu.memory_space<hbm>> -> memref<32xi32, #tpu.memory_space<hbm>>
      %dma_start3A_40 = tpu.memref_slice %arg3[%add3A_4] : memref<4096xi32, #tpu.memory_space<hbm>> -> memref<32xi32, #tpu.memory_space<hbm>>
      tpu.enqueue_dma source(%dma_start3A_40 : memref<32xi32, #tpu.memory_space<hbm>>) target(%arg5 : memref<32xi32, #tpu.memory_space<vmem>>) target_semaphore(%run_scoped3A : memref<!tpu.dma_semaphore, #tpu.memory_space<semaphore_mem>>)
      %dma_wait3A_41 = tpu.memref_slice %arg3[%add3A_4] : memref<4096xi32, #tpu.memory_space<hbm>> -> memref<32xi32, #tpu.memory_space<hbm>>
      %dma_wait3A_42 = tpu.memref_slice %arg3[%add3A_4] : memref<4096xi32, #tpu.memory_space<hbm>> -> memref<32xi32, #tpu.memory_space<hbm>>
      tpu.wait_dma2 semaphore(%run_scoped3A : memref<!tpu.dma_semaphore, #tpu.memory_space<semaphore_mem>>) src(%dma_wait3A_42 : memref<32xi32, #tpu.memory_space<hbm>>) dst(%arg5 : memref<32xi32, #tpu.memory_space<vmem>>)
      tpu.yield
    }) : () -> ()
    %dma_start3A = arith.constant 0 : i32
    %dma_start3A_5 = arith.constant 0 : i32
    %dma_start3A_6 = tpu.memref_slice %arg2[%dma_start3A, %dma_start3A_5] : memref<100000x1024xf32, #tpu.memory_space<hbm>> -> memref<100000x1024xf32, #tpu.memory_space<hbm>>
    tpu.enqueue_indirect_dma source(%dma_start3A_6 : memref<100000x1024xf32, #tpu.memory_space<hbm>>) target(%arg6 : memref<32x1024xf32, #tpu.memory_space<vmem>>) offsets(%arg5 : memref<32xi32, #tpu.memory_space<vmem>>) semaphore(%arg7 : memref<!tpu.dma_semaphore, #tpu.memory_space<semaphore_mem>>)
    %dma_wait3A = arith.constant 0 : i32
    %dma_wait3A_7 = arith.constant 0 : i32
    %dma_wait3A_8 = tpu.memref_slice %arg2[%dma_wait3A, %dma_wait3A_7] : memref<100000x1024xf32, #tpu.memory_space<hbm>> -> memref<100000x1024xf32, #tpu.memory_space<hbm>>
    tpu.wait_indirect_dma semaphore(%arg7 : memref<!tpu.dma_semaphore, #tpu.memory_space<semaphore_mem>>) src(%dma_wait3A_8 : memref<100000x1024xf32, #tpu.memory_space<hbm>>) dst(%arg6 : memref<32x1024xf32, #tpu.memory_space<vmem>>)
    "tpu.region"() ({
      %run_scoped3A = tpu.sem_alloc : memref<!tpu.dma_semaphore, #tpu.memory_space<semaphore_mem>>
      %dma_start3A_39 = arith.constant 0 : i32
      %dma_start3A_40 = tpu.memref_slice %arg4[%add3A_4, %dma_start3A_39] : memref<4096x1024xf32, #tpu.memory_space<hbm>> -> memref<32x1024xf32, #tpu.memory_space<hbm>>
      %dma_start3A_41 = arith.constant 0 : i32
      %dma_start3A_42 = tpu.memref_slice %arg4[%add3A_4, %dma_start3A_41] : memref<4096x1024xf32, #tpu.memory_space<hbm>> -> memref<32x1024xf32, #tpu.memory_space<hbm>>
      tpu.enqueue_dma source(%arg6 : memref<32x1024xf32, #tpu.memory_space<vmem>>) target(%dma_start3A_42 : memref<32x1024xf32, #tpu.memory_space<hbm>>) target_semaphore(%run_scoped3A : memref<!tpu.dma_semaphore, #tpu.memory_space<semaphore_mem>>)
      %dma_wait3A_43 = arith.constant 0 : i32
      %dma_wait3A_44 = tpu.memref_slice %arg4[%add3A_4, %dma_wait3A_43] : memref<4096x1024xf32, #tpu.memory_space<hbm>> -> memref<32x1024xf32, #tpu.memory_space<hbm>>
      %dma_wait3A_45 = arith.constant 0 : i32
      %dma_wait3A_46 = tpu.memref_slice %arg4[%add3A_4, %dma_wait3A_45] : memref<4096x1024xf32, #tpu.memory_space<hbm>> -> memref<32x1024xf32, #tpu.memory_space<hbm>>
      tpu.wait_dma2 semaphore(%run_scoped3A : memref<!tpu.dma_semaphore, #tpu.memory_space<semaphore_mem>>) src(%arg6 : memref<32x1024xf32, #tpu.memory_space<vmem>>) dst(%dma_wait3A_46 : memref<32x1024xf32, #tpu.memory_space<hbm>>)
      tpu.yield
    }) : () -> ()
    %mul3A_9 = arith.constant 128 : i32
    %mul3A_10 = arith.muli %add3A, %mul3A_9 : i32
    %add3A_11 = arith.constant 32 : i32
    %add3A_12 = arith.addi %mul3A_10, %add3A_11 : i32
    "tpu.region"() ({
      %run_scoped3A = tpu.sem_alloc : memref<!tpu.dma_semaphore, #tpu.memory_space<semaphore_mem>>
      %dma_start3A_39 = tpu.memref_slice %arg3[%add3A_12] : memref<4096xi32, #tpu.memory_space<hbm>> -> memref<32xi32, #tpu.memory_space<hbm>>
      %dma_start3A_40 = tpu.memref_slice %arg3[%add3A_12] : memref<4096xi32, #tpu.memory_space<hbm>> -> memref<32xi32, #tpu.memory_space<hbm>>
      tpu.enqueue_dma source(%dma_start3A_40 : memref<32xi32, #tpu.memory_space<hbm>>) target(%arg5 : memref<32xi32, #tpu.memory_space<vmem>>) target_semaphore(%run_scoped3A : memref<!tpu.dma_semaphore, #tpu.memory_space<semaphore_mem>>)
      %dma_wait3A_41 = tpu.memref_slice %arg3[%add3A_12] : memref<4096xi32, #tpu.memory_space<hbm>> -> memref<32xi32, #tpu.memory_space<hbm>>
      %dma_wait3A_42 = tpu.memref_slice %arg3[%add3A_12] : memref<4096xi32, #tpu.memory_space<hbm>> -> memref<32xi32, #tpu.memory_space<hbm>>
      tpu.wait_dma2 semaphore(%run_scoped3A : memref<!tpu.dma_semaphore, #tpu.memory_space<semaphore_mem>>) src(%dma_wait3A_42 : memref<32xi32, #tpu.memory_space<hbm>>) dst(%arg5 : memref<32xi32, #tpu.memory_space<vmem>>)
      tpu.yield
    }) : () -> ()
    %dma_start3A_13 = arith.constant 0 : i32
    %dma_start3A_14 = arith.constant 0 : i32
    %dma_start3A_15 = tpu.memref_slice %arg2[%dma_start3A_13, %dma_start3A_14] : memref<100000x1024xf32, #tpu.memory_space<hbm>> -> memref<100000x1024xf32, #tpu.memory_space<hbm>>
    tpu.enqueue_indirect_dma source(%dma_start3A_15 : memref<100000x1024xf32, #tpu.memory_space<hbm>>) target(%arg6 : memref<32x1024xf32, #tpu.memory_space<vmem>>) offsets(%arg5 : memref<32xi32, #tpu.memory_space<vmem>>) semaphore(%arg7 : memref<!tpu.dma_semaphore, #tpu.memory_space<semaphore_mem>>)
    %dma_wait3A_16 = arith.constant 0 : i32
    %dma_wait3A_17 = arith.constant 0 : i32
    %dma_wait3A_18 = tpu.memref_slice %arg2[%dma_wait3A_16, %dma_wait3A_17] : memref<100000x1024xf32, #tpu.memory_space<hbm>> -> memref<100000x1024xf32, #tpu.memory_space<hbm>>
    tpu.wait_indirect_dma semaphore(%arg7 : memref<!tpu.dma_semaphore, #tpu.memory_space<semaphore_mem>>) src(%dma_wait3A_18 : memref<100000x1024xf32, #tpu.memory_space<hbm>>) dst(%arg6 : memref<32x1024xf32, #tpu.memory_space<vmem>>)
    "tpu.region"() ({
      %run_scoped3A = tpu.sem_alloc : memref<!tpu.dma_semaphore, #tpu.memory_space<semaphore_mem>>
      %dma_start3A_39 = arith.constant 0 : i32
      %dma_start3A_40 = tpu.memref_slice %arg4[%add3A_12, %dma_start3A_39] : memref<4096x1024xf32, #tpu.memory_space<hbm>> -> memref<32x1024xf32, #tpu.memory_space<hbm>>
      %dma_start3A_41 = arith.constant 0 : i32
      %dma_start3A_42 = tpu.memref_slice %arg4[%add3A_12, %dma_start3A_41] : memref<4096x1024xf32, #tpu.memory_space<hbm>> -> memref<32x1024xf32, #tpu.memory_space<hbm>>
      tpu.enqueue_dma source(%arg6 : memref<32x1024xf32, #tpu.memory_space<vmem>>) target(%dma_start3A_42 : memref<32x1024xf32, #tpu.memory_space<hbm>>) target_semaphore(%run_scoped3A : memref<!tpu.dma_semaphore, #tpu.memory_space<semaphore_mem>>)
      %dma_wait3A_43 = arith.constant 0 : i32
      %dma_wait3A_44 = tpu.memref_slice %arg4[%add3A_12, %dma_wait3A_43] : memref<4096x1024xf32, #tpu.memory_space<hbm>> -> memref<32x1024xf32, #tpu.memory_space<hbm>>
      %dma_wait3A_45 = arith.constant 0 : i32
      %dma_wait3A_46 = tpu.memref_slice %arg4[%add3A_12, %dma_wait3A_45] : memref<4096x1024xf32, #tpu.memory_space<hbm>> -> memref<32x1024xf32, #tpu.memory_space<hbm>>
      tpu.wait_dma2 semaphore(%run_scoped3A : memref<!tpu.dma_semaphore, #tpu.memory_space<semaphore_mem>>) src(%arg6 : memref<32x1024xf32, #tpu.memory_space<vmem>>) dst(%dma_wait3A_46 : memref<32x1024xf32, #tpu.memory_space<hbm>>)
      tpu.yield
    }) : () -> ()
    %mul3A_19 = arith.constant 128 : i32
    %mul3A_20 = arith.muli %add3A, %mul3A_19 : i32
    %add3A_21 = arith.constant 64 : i32
    %add3A_22 = arith.addi %mul3A_20, %add3A_21 : i32
    "tpu.region"() ({
      %run_scoped3A = tpu.sem_alloc : memref<!tpu.dma_semaphore, #tpu.memory_space<semaphore_mem>>
      %dma_start3A_39 = tpu.memref_slice %arg3[%add3A_22] : memref<4096xi32, #tpu.memory_space<hbm>> -> memref<32xi32, #tpu.memory_space<hbm>>
      %dma_start3A_40 = tpu.memref_slice %arg3[%add3A_22] : memref<4096xi32, #tpu.memory_space<hbm>> -> memref<32xi32, #tpu.memory_space<hbm>>
      tpu.enqueue_dma source(%dma_start3A_40 : memref<32xi32, #tpu.memory_space<hbm>>) target(%arg5 : memref<32xi32, #tpu.memory_space<vmem>>) target_semaphore(%run_scoped3A : memref<!tpu.dma_semaphore, #tpu.memory_space<semaphore_mem>>)
      %dma_wait3A_41 = tpu.memref_slice %arg3[%add3A_22] : memref<4096xi32, #tpu.memory_space<hbm>> -> memref<32xi32, #tpu.memory_space<hbm>>
      %dma_wait3A_42 = tpu.memref_slice %arg3[%add3A_22] : memref<4096xi32, #tpu.memory_space<hbm>> -> memref<32xi32, #tpu.memory_space<hbm>>
      tpu.wait_dma2 semaphore(%run_scoped3A : memref<!tpu.dma_semaphore, #tpu.memory_space<semaphore_mem>>) src(%dma_wait3A_42 : memref<32xi32, #tpu.memory_space<hbm>>) dst(%arg5 : memref<32xi32, #tpu.memory_space<vmem>>)
      tpu.yield
    }) : () -> ()
    %dma_start3A_23 = arith.constant 0 : i32
    %dma_start3A_24 = arith.constant 0 : i32
    %dma_start3A_25 = tpu.memref_slice %arg2[%dma_start3A_23, %dma_start3A_24] : memref<100000x1024xf32, #tpu.memory_space<hbm>> -> memref<100000x1024xf32, #tpu.memory_space<hbm>>
    tpu.enqueue_indirect_dma source(%dma_start3A_25 : memref<100000x1024xf32, #tpu.memory_space<hbm>>) target(%arg6 : memref<32x1024xf32, #tpu.memory_space<vmem>>) offsets(%arg5 : memref<32xi32, #tpu.memory_space<vmem>>) semaphore(%arg7 : memref<!tpu.dma_semaphore, #tpu.memory_space<semaphore_mem>>)
    %dma_wait3A_26 = arith.constant 0 : i32
    %dma_wait3A_27 = arith.constant 0 : i32
    %dma_wait3A_28 = tpu.memref_slice %arg2[%dma_wait3A_26, %dma_wait3A_27] : memref<100000x1024xf32, #tpu.memory_space<hbm>> -> memref<100000x1024xf32, #tpu.memory_space<hbm>>
    tpu.wait_indirect_dma semaphore(%arg7 : memref<!tpu.dma_semaphore, #tpu.memory_space<semaphore_mem>>) src(%dma_wait3A_28 : memref<100000x1024xf32, #tpu.memory_space<hbm>>) dst(%arg6 : memref<32x1024xf32, #tpu.memory_space<vmem>>)
    "tpu.region"() ({
      %run_scoped3A = tpu.sem_alloc : memref<!tpu.dma_semaphore, #tpu.memory_space<semaphore_mem>>
      %dma_start3A_39 = arith.constant 0 : i32
      %dma_start3A_40 = tpu.memref_slice %arg4[%add3A_22, %dma_start3A_39] : memref<4096x1024xf32, #tpu.memory_space<hbm>> -> memref<32x1024xf32, #tpu.memory_space<hbm>>
      %dma_start3A_41 = arith.constant 0 : i32
      %dma_start3A_42 = tpu.memref_slice %arg4[%add3A_22, %dma_start3A_41] : memref<4096x1024xf32, #tpu.memory_space<hbm>> -> memref<32x1024xf32, #tpu.memory_space<hbm>>
      tpu.enqueue_dma source(%arg6 : memref<32x1024xf32, #tpu.memory_space<vmem>>) target(%dma_start3A_42 : memref<32x1024xf32, #tpu.memory_space<hbm>>) target_semaphore(%run_scoped3A : memref<!tpu.dma_semaphore, #tpu.memory_space<semaphore_mem>>)
      %dma_wait3A_43 = arith.constant 0 : i32
      %dma_wait3A_44 = tpu.memref_slice %arg4[%add3A_22, %dma_wait3A_43] : memref<4096x1024xf32, #tpu.memory_space<hbm>> -> memref<32x1024xf32, #tpu.memory_space<hbm>>
      %dma_wait3A_45 = arith.constant 0 : i32
      %dma_wait3A_46 = tpu.memref_slice %arg4[%add3A_22, %dma_wait3A_45] : memref<4096x1024xf32, #tpu.memory_space<hbm>> -> memref<32x1024xf32, #tpu.memory_space<hbm>>
      tpu.wait_dma2 semaphore(%run_scoped3A : memref<!tpu.dma_semaphore, #tpu.memory_space<semaphore_mem>>) src(%arg6 : memref<32x1024xf32, #tpu.memory_space<vmem>>) dst(%dma_wait3A_46 : memref<32x1024xf32, #tpu.memory_space<hbm>>)
      tpu.yield
    }) : () -> ()
    %mul3A_29 = arith.constant 128 : i32
    %mul3A_30 = arith.muli %add3A, %mul3A_29 : i32
    %add3A_31 = arith.constant 96 : i32
    %add3A_32 = arith.addi %mul3A_30, %add3A_31 : i32
    "tpu.region"() ({
      %run_scoped3A = tpu.sem_alloc : memref<!tpu.dma_semaphore, #tpu.memory_space<semaphore_mem>>
      %dma_start3A_39 = tpu.memref_slice %arg3[%add3A_32] : memref<4096xi32, #tpu.memory_space<hbm>> -> memref<32xi32, #tpu.memory_space<hbm>>
      %dma_start3A_40 = tpu.memref_slice %arg3[%add3A_32] : memref<4096xi32, #tpu.memory_space<hbm>> -> memref<32xi32, #tpu.memory_space<hbm>>
      tpu.enqueue_dma source(%dma_start3A_40 : memref<32xi32, #tpu.memory_space<hbm>>) target(%arg5 : memref<32xi32, #tpu.memory_space<vmem>>) target_semaphore(%run_scoped3A : memref<!tpu.dma_semaphore, #tpu.memory_space<semaphore_mem>>)
      %dma_wait3A_41 = tpu.memref_slice %arg3[%add3A_32] : memref<4096xi32, #tpu.memory_space<hbm>> -> memref<32xi32, #tpu.memory_space<hbm>>
      %dma_wait3A_42 = tpu.memref_slice %arg3[%add3A_32] : memref<4096xi32, #tpu.memory_space<hbm>> -> memref<32xi32, #tpu.memory_space<hbm>>
      tpu.wait_dma2 semaphore(%run_scoped3A : memref<!tpu.dma_semaphore, #tpu.memory_space<semaphore_mem>>) src(%dma_wait3A_42 : memref<32xi32, #tpu.memory_space<hbm>>) dst(%arg5 : memref<32xi32, #tpu.memory_space<vmem>>)
      tpu.yield
    }) : () -> ()
    %dma_start3A_33 = arith.constant 0 : i32
    %dma_start3A_34 = arith.constant 0 : i32
    %dma_start3A_35 = tpu.memref_slice %arg2[%dma_start3A_33, %dma_start3A_34] : memref<100000x1024xf32, #tpu.memory_space<hbm>> -> memref<100000x1024xf32, #tpu.memory_space<hbm>>
    tpu.enqueue_indirect_dma source(%dma_start3A_35 : memref<100000x1024xf32, #tpu.memory_space<hbm>>) target(%arg6 : memref<32x1024xf32, #tpu.memory_space<vmem>>) offsets(%arg5 : memref<32xi32, #tpu.memory_space<vmem>>) semaphore(%arg7 : memref<!tpu.dma_semaphore, #tpu.memory_space<semaphore_mem>>)
    %dma_wait3A_36 = arith.constant 0 : i32
    %dma_wait3A_37 = arith.constant 0 : i32
    %dma_wait3A_38 = tpu.memref_slice %arg2[%dma_wait3A_36, %dma_wait3A_37] : memref<100000x1024xf32, #tpu.memory_space<hbm>> -> memref<100000x1024xf32, #tpu.memory_space<hbm>>
    tpu.wait_indirect_dma semaphore(%arg7 : memref<!tpu.dma_semaphore, #tpu.memory_space<semaphore_mem>>) src(%dma_wait3A_38 : memref<100000x1024xf32, #tpu.memory_space<hbm>>) dst(%arg6 : memref<32x1024xf32, #tpu.memory_space<vmem>>)
    "tpu.region"() ({
      %run_scoped3A = tpu.sem_alloc : memref<!tpu.dma_semaphore, #tpu.memory_space<semaphore_mem>>
      %dma_start3A_39 = arith.constant 0 : i32
      %dma_start3A_40 = tpu.memref_slice %arg4[%add3A_32, %dma_start3A_39] : memref<4096x1024xf32, #tpu.memory_space<hbm>> -> memref<32x1024xf32, #tpu.memory_space<hbm>>
      %dma_start3A_41 = arith.constant 0 : i32
      %dma_start3A_42 = tpu.memref_slice %arg4[%add3A_32, %dma_start3A_41] : memref<4096x1024xf32, #tpu.memory_space<hbm>> -> memref<32x1024xf32, #tpu.memory_space<hbm>>
      tpu.enqueue_dma source(%arg6 : memref<32x1024xf32, #tpu.memory_space<vmem>>) target(%dma_start3A_42 : memref<32x1024xf32, #tpu.memory_space<hbm>>) target_semaphore(%run_scoped3A : memref<!tpu.dma_semaphore, #tpu.memory_space<semaphore_mem>>)
      %dma_wait3A_43 = arith.constant 0 : i32
      %dma_wait3A_44 = tpu.memref_slice %arg4[%add3A_32, %dma_wait3A_43] : memref<4096x1024xf32, #tpu.memory_space<hbm>> -> memref<32x1024xf32, #tpu.memory_space<hbm>>
      %dma_wait3A_45 = arith.constant 0 : i32
      %dma_wait3A_46 = tpu.memref_slice %arg4[%add3A_32, %dma_wait3A_45] : memref<4096x1024xf32, #tpu.memory_space<hbm>> -> memref<32x1024xf32, #tpu.memory_space<hbm>>
      tpu.wait_dma2 semaphore(%run_scoped3A : memref<!tpu.dma_semaphore, #tpu.memory_space<semaphore_mem>>) src(%arg6 : memref<32x1024xf32, #tpu.memory_space<vmem>>) dst(%dma_wait3A_46 : memref<32x1024xf32, #tpu.memory_space<hbm>>)
      tpu.yield
    }) : () -> ()
    return
  }
}

module attributes {stable_mosaic.version = 14 : i64} {
  func.func @_proj_body(%arg0: memref<2x2048xf32, #tpu.memory_space<vmem>>, %arg1: memref<2x1024xf32, #tpu.memory_space<vmem>>, %arg2: memref<2048x1024xf32, #tpu.memory_space<vmem>>, %arg3: memref<1x1024xf32, #tpu.memory_space<vmem>>, %arg4: memref<1024x1024xf32, #tpu.memory_space<vmem>>, %arg5: memref<1x1024xf32, #tpu.memory_space<vmem>>, %arg6: memref<2x1024xf32, #tpu.memory_space<vmem>>) attributes {dimension_semantics = [], scalar_prefetch = 0 : i64, scratch_operands = 0 : i64, tpu.core_type = #tpu.core_type<tc>} {
    %get3A = arith.constant 0 : index
    %get3A_0 = arith.constant 0 : index
    %get3A_1 = vector.load %arg0[%get3A, %get3A_0] : memref<2x2048xf32, #tpu.memory_space<vmem>>, vector<2x2048xf32>
    %get3A_2 = arith.constant 0 : index
    %get3A_3 = arith.constant 0 : index
    %get3A_4 = vector.load %arg2[%get3A_2, %get3A_3] : memref<2048x1024xf32, #tpu.memory_space<vmem>>, vector<2048x1024xf32>
    %dot_general3A = arith.constant dense<0.000000e+00> : vector<2x1024xf32>
    %dot_general3A_5 = tpu.matmul %get3A_1, %get3A_4, %dot_general3A {dimension_numbers = #tpu.dot_dimension_numbers<[1], [0], [0], [1], [0, 0, 1, 1], [], []>, transpose_lhs_hint = false} : vector<2x2048xf32>, vector<2048x1024xf32>, vector<2x1024xf32> -> vector<2x1024xf32>
    %get3A_6 = arith.constant 0 : index
    %get3A_7 = arith.constant 0 : index
    %get3A_8 = vector.load %arg1[%get3A_6, %get3A_7] : memref<2x1024xf32, #tpu.memory_space<vmem>>, vector<2x1024xf32>
    %get3A_9 = arith.constant 0 : index
    %get3A_10 = arith.constant 0 : index
    %get3A_11 = vector.load %arg4[%get3A_9, %get3A_10] : memref<1024x1024xf32, #tpu.memory_space<vmem>>, vector<1024x1024xf32>
    %dot_general3A_12 = arith.constant dense<0.000000e+00> : vector<2x1024xf32>
    %dot_general3A_13 = tpu.matmul %get3A_8, %get3A_11, %dot_general3A_12 {dimension_numbers = #tpu.dot_dimension_numbers<[1], [0], [0], [1], [0, 0, 1, 1], [], []>, transpose_lhs_hint = false} : vector<2x1024xf32>, vector<1024x1024xf32>, vector<2x1024xf32> -> vector<2x1024xf32>
    %add3A = arith.addf %dot_general3A_5, %dot_general3A_13 : vector<2x1024xf32>
    %get3A_14 = arith.constant 0 : index
    %get3A_15 = arith.constant 0 : index
    %get3A_16 = vector.load %arg3[%get3A_14, %get3A_15] : memref<1x1024xf32, #tpu.memory_space<vmem>>, vector<1x1024xf32>
    %add3A_17 = vector.broadcast %get3A_16 : vector<1x1024xf32> to vector<2x1024xf32>
    %add3A_18 = arith.addf %add3A, %add3A_17 : vector<2x1024xf32>
    %get3A_19 = arith.constant 0 : index
    %get3A_20 = arith.constant 0 : index
    %get3A_21 = vector.load %arg5[%get3A_19, %get3A_20] : memref<1x1024xf32, #tpu.memory_space<vmem>>, vector<1x1024xf32>
    %add3A_22 = vector.broadcast %get3A_21 : vector<1x1024xf32> to vector<2x1024xf32>
    %add3A_23 = arith.addf %add3A_18, %add3A_22 : vector<2x1024xf32>
    %swap3A = arith.constant 0 : index
    %swap3A_24 = arith.constant 0 : index
    %swap3A_25 = vector.load %arg6[%swap3A, %swap3A_24] : memref<2x1024xf32, #tpu.memory_space<vmem>>, vector<2x1024xf32>
    tpu.vector_store %arg6[%swap3A, %swap3A_24], %add3A_23 {strides = array<i32>} : memref<2x1024xf32, #tpu.memory_space<vmem>>, vector<2x1024xf32>,
    return
  }
}

module attributes {stable_mosaic.version = 14 : i64} {
  func.func @_moe_body(%arg0: i32, %arg1: i32, %arg2: memref<1x512x1024xf32, #tpu.memory_space<vmem>>, %arg3: memref<2x1024xf32, #tpu.memory_space<vmem>>, %arg4: memref<1024x8xf32, #tpu.memory_space<vmem>>, %arg5: memref<1x8xf32, #tpu.memory_space<vmem>>, %arg6: memref<8x1024x1024xbf16, #tpu.memory_space<vmem>>, %arg7: memref<8x1024xf32, #tpu.memory_space<vmem>>, %arg8: memref<1x512x1024xf32, #tpu.memory_space<vmem>>) attributes {dimension_semantics = [#tpu.dimension_semantics<arbitrary>, #tpu.dimension_semantics<arbitrary>], iteration_bounds = array<i64: 2, 4>, scalar_prefetch = 0 : i64, scratch_operands = 0 : i64, tpu.core_type = #tpu.core_type<tc>, window_params = [{transform_indices = @transform_0, window_bounds = array<i64: 1, 512, 1024>}, {pipeline_mode = #tpu.pipeline_mode<synchronous>, transform_indices = @transform_1, window_bounds = array<i64: 2, 1024>}, {pipeline_mode = #tpu.pipeline_mode<synchronous>, transform_indices = @transform_2, window_bounds = array<i64: 1024, 8>}, {pipeline_mode = #tpu.pipeline_mode<synchronous>, transform_indices = @transform_3, window_bounds = array<i64: 1, 8>}, {pipeline_mode = #tpu.pipeline_mode<synchronous>, transform_indices = @transform_4, window_bounds = array<i64: 8, 1024, 1024>}, {pipeline_mode = #tpu.pipeline_mode<synchronous>, transform_indices = @transform_5, window_bounds = array<i64: 8, 1024>}, {transform_indices = @transform_6, window_bounds = array<i64: 1, 512, 1024>}]} {
    %eq3A = arith.constant 0 : i32
    %eq3A_0 = arith.cmpi eq, %arg0, %eq3A : i32
    %get3A = arith.constant 0 : index
    %get3A_1 = arith.constant 0 : index
    %get3A_2 = vector.load %arg3[%get3A, %get3A_1] : memref<2x1024xf32, #tpu.memory_space<vmem>>, vector<1x1024xf32>
    %get3A_3 = arith.constant 1 : index
    %get3A_4 = arith.constant 0 : index
    %get3A_5 = vector.load %arg3[%get3A_3, %get3A_4] : memref<2x1024xf32, #tpu.memory_space<vmem>>, vector<1x1024xf32>
    %select_n3A = arith.select %eq3A_0, %get3A_2, %get3A_5 : vector<1x1024xf32>
    %get3A_6 = arith.constant 0 : index
    %get3A_7 = arith.constant 0 : index
    %get3A_8 = arith.constant 0 : index
    %get3A_9 = vector.load %arg2[%get3A_6, %get3A_7, %get3A_8] : memref<1x512x1024xf32, #tpu.memory_space<vmem>>, vector<1x512x1024xf32>
    %get3A_10 = vector.shape_cast %get3A_9 : vector<1x512x1024xf32> to vector<512x1024xf32>
    %add3A = vector.broadcast %select_n3A : vector<1x1024xf32> to vector<512x1024xf32>
    %add3A_11 = arith.addf %get3A_10, %add3A : vector<512x1024xf32>
    %get3A_12 = arith.constant 0 : index
    %get3A_13 = arith.constant 0 : index
    %get3A_14 = vector.load %arg4[%get3A_12, %get3A_13] : memref<1024x8xf32, #tpu.memory_space<vmem>>, vector<1024x8xf32>
    %dot_general3A = arith.constant dense<0.000000e+00> : vector<512x8xf32>
    %dot_general3A_15 = tpu.matmul %add3A_11, %get3A_14, %dot_general3A {dimension_numbers = #tpu.dot_dimension_numbers<[1], [0], [0], [1], [0, 0, 1, 1], [], []>, transpose_lhs_hint = false} : vector<512x1024xf32>, vector<1024x8xf32>, vector<512x8xf32> -> vector<512x8xf32>
    %get3A_16 = arith.constant 0 : index
    %get3A_17 = arith.constant 0 : index
    %get3A_18 = vector.load %arg5[%get3A_16, %get3A_17] : memref<1x8xf32, #tpu.memory_space<vmem>>, vector<1x8xf32>
    %add3A_19 = vector.broadcast %get3A_18 : vector<1x8xf32> to vector<512x8xf32>
    %add3A_20 = arith.addf %dot_general3A_15, %add3A_19 : vector<512x8xf32>
    %reduce_max3A = arith.constant dense<0xFF800000> : vector<512xf32>
    %reduce_max3A_21 = vector.multi_reduction <maximumf>, %add3A_20, %reduce_max3A [1] : vector<512x8xf32> to vector<512xf32>
    %broadcast_in_dim3A = vector.shape_cast %reduce_max3A_21 : vector<512xf32> to vector<512x1xf32>
    %sub3A = vector.broadcast %broadcast_in_dim3A : vector<512x1xf32> to vector<512x8xf32>
    %sub3A_22 = arith.subf %add3A_20, %sub3A : vector<512x8xf32>
    %exp3A = math.exp %sub3A_22 : vector<512x8xf32>
    %reduce_sum3A = arith.constant dense<0.000000e+00> : vector<512xf32>
    %reduce_sum3A_23 = vector.multi_reduction <add>, %exp3A, %reduce_sum3A [1] : vector<512x8xf32> to vector<512xf32>
    %broadcast_in_dim3A_24 = vector.shape_cast %reduce_sum3A_23 : vector<512xf32> to vector<512x1xf32>
    %div3A = vector.broadcast %broadcast_in_dim3A_24 : vector<512x1xf32> to vector<512x8xf32>
    %div3A_25 = arith.divf %exp3A, %div3A : vector<512x8xf32>
    %convert_element_type3A = arith.truncf %add3A_11 : vector<512x1024xf32> to vector<512x1024xbf16>
    %get3A_26 = arith.constant 0 : index
    %get3A_27 = arith.constant 0 : index
    %get3A_28 = vector.load %arg7[%get3A_26, %get3A_27] : memref<8x1024xf32, #tpu.memory_space<vmem>>, vector<8x1024xf32>
    %dot_general3A_29 = arith.constant dense<0.000000e+00> : vector<512x1024xf32>
    %dot_general3A_30 = tpu.matmul %div3A_25, %get3A_28, %dot_general3A_29 {dimension_numbers = #tpu.dot_dimension_numbers<[1], [0], [0], [1], [0, 0, 1, 1], [], []>, transpose_lhs_hint = false} : vector<512x8xf32>, vector<8x1024xf32>, vector<512x1024xf32> -> vector<512x1024xf32>
    %get3A_31 = arith.constant 0 : index
    %get3A_32 = arith.constant 0 : index
    %get3A_33 = arith.constant 0 : index
    %get3A_34 = vector.load %arg6[%get3A_31, %get3A_32, %get3A_33] : memref<8x1024x1024xbf16, #tpu.memory_space<vmem>>, vector<1x1024x1024xbf16>
    %get3A_35 = vector.shape_cast %get3A_34 : vector<1x1024x1024xbf16> to vector<1024x1024xbf16>
    %dot_general3A_36 = arith.constant dense<0.000000e+00> : vector<512x1024xf32>
    %dot_general3A_37 = tpu.matmul %convert_element_type3A, %get3A_35, %dot_general3A_36 {dimension_numbers = #tpu.dot_dimension_numbers<[1], [0], [0], [1], [0, 0, 1, 1], [], []>, transpose_lhs_hint = false} : vector<512x1024xbf16>, vector<1024x1024xbf16>, vector<512x1024xf32> -> vector<512x1024xf32>
    %slice3A = vector.extract_strided_slice %div3A_25 {offsets = [0, 0], sizes = [512, 1], strides = [1, 1]} : vector<512x8xf32> to vector<512x1xf32>
    %mul3A = vector.broadcast %slice3A : vector<512x1xf32> to vector<512x1024xf32>
    %mul3A_38 = arith.mulf %mul3A, %dot_general3A_37 : vector<512x1024xf32>
    %add3A_39 = arith.addf %dot_general3A_30, %mul3A_38 : vector<512x1024xf32>
    %get3A_40 = arith.constant 1 : index
    %get3A_41 = arith.constant 0 : index
    %get3A_42 = arith.constant 0 : index
    %get3A_43 = vector.load %arg6[%get3A_40, %get3A_41, %get3A_42] : memref<8x1024x1024xbf16, #tpu.memory_space<vmem>>, vector<1x1024x1024xbf16>
    %get3A_44 = vector.shape_cast %get3A_43 : vector<1x1024x1024xbf16> to vector<1024x1024xbf16>
    %dot_general3A_45 = arith.constant dense<0.000000e+00> : vector<512x1024xf32>
    %dot_general3A_46 = tpu.matmul %convert_element_type3A, %get3A_44, %dot_general3A_45 {dimension_numbers = #tpu.dot_dimension_numbers<[1], [0], [0], [1], [0, 0, 1, 1], [], []>, transpose_lhs_hint = false} : vector<512x1024xbf16>, vector<1024x1024xbf16>, vector<512x1024xf32> -> vector<512x1024xf32>
    %slice3A_47 = vector.extract_strided_slice %div3A_25 {offsets = [0, 1], sizes = [512, 1], strides = [1, 1]} : vector<512x8xf32> to vector<512x1xf32>
    %mul3A_48 = vector.broadcast %slice3A_47 : vector<512x1xf32> to vector<512x1024xf32>
    %mul3A_49 = arith.mulf %mul3A_48, %dot_general3A_46 : vector<512x1024xf32>
    %add3A_50 = arith.addf %add3A_39, %mul3A_49 : vector<512x1024xf32>
    %get3A_51 = arith.constant 2 : index
    %get3A_52 = arith.constant 0 : index
    %get3A_53 = arith.constant 0 : index
    %get3A_54 = vector.load %arg6[%get3A_51, %get3A_52, %get3A_53] : memref<8x1024x1024xbf16, #tpu.memory_space<vmem>>, vector<1x1024x1024xbf16>
    %get3A_55 = vector.shape_cast %get3A_54 : vector<1x1024x1024xbf16> to vector<1024x1024xbf16>
    %dot_general3A_56 = arith.constant dense<0.000000e+00> : vector<512x1024xf32>
    %dot_general3A_57 = tpu.matmul %convert_element_type3A, %get3A_55, %dot_general3A_56 {dimension_numbers = #tpu.dot_dimension_numbers<[1], [0], [0], [1], [0, 0, 1, 1], [], []>, transpose_lhs_hint = false} : vector<512x1024xbf16>, vector<1024x1024xbf16>, vector<512x1024xf32> -> vector<512x1024xf32>
    %slice3A_58 = vector.extract_strided_slice %div3A_25 {offsets = [0, 2], sizes = [512, 1], strides = [1, 1]} : vector<512x8xf32> to vector<512x1xf32>
    %mul3A_59 = vector.broadcast %slice3A_58 : vector<512x1xf32> to vector<512x1024xf32>
    %mul3A_60 = arith.mulf %mul3A_59, %dot_general3A_57 : vector<512x1024xf32>
    %add3A_61 = arith.addf %add3A_50, %mul3A_60 : vector<512x1024xf32>
    %get3A_62 = arith.constant 3 : index
    %get3A_63 = arith.constant 0 : index
    %get3A_64 = arith.constant 0 : index
    %get3A_65 = vector.load %arg6[%get3A_62, %get3A_63, %get3A_64] : memref<8x1024x1024xbf16, #tpu.memory_space<vmem>>, vector<1x1024x1024xbf16>
    %get3A_66 = vector.shape_cast %get3A_65 : vector<1x1024x1024xbf16> to vector<1024x1024xbf16>
    %dot_general3A_67 = arith.constant dense<0.000000e+00> : vector<512x1024xf32>
    %dot_general3A_68 = tpu.matmul %convert_element_type3A, %get3A_66, %dot_general3A_67 {dimension_numbers = #tpu.dot_dimension_numbers<[1], [0], [0], [1], [0, 0, 1, 1], [], []>, transpose_lhs_hint = false} : vector<512x1024xbf16>, vector<1024x1024xbf16>, vector<512x1024xf32> -> vector<512x1024xf32>
    %slice3A_69 = vector.extract_strided_slice %div3A_25 {offsets = [0, 3], sizes = [512, 1], strides = [1, 1]} : vector<512x8xf32> to vector<512x1xf32>
    %mul3A_70 = vector.broadcast %slice3A_69 : vector<512x1xf32> to vector<512x1024xf32>
    %mul3A_71 = arith.mulf %mul3A_70, %dot_general3A_68 : vector<512x1024xf32>
    %add3A_72 = arith.addf %add3A_61, %mul3A_71 : vector<512x1024xf32>
    %get3A_73 = arith.constant 4 : index
    %get3A_74 = arith.constant 0 : index
    %get3A_75 = arith.constant 0 : index
    %get3A_76 = vector.load %arg6[%get3A_73, %get3A_74, %get3A_75] : memref<8x1024x1024xbf16, #tpu.memory_space<vmem>>, vector<1x1024x1024xbf16>
    %get3A_77 = vector.shape_cast %get3A_76 : vector<1x1024x1024xbf16> to vector<1024x1024xbf16>
    %dot_general3A_78 = arith.constant dense<0.000000e+00> : vector<512x1024xf32>
    %dot_general3A_79 = tpu.matmul %convert_element_type3A, %get3A_77, %dot_general3A_78 {dimension_numbers = #tpu.dot_dimension_numbers<[1], [0], [0], [1], [0, 0, 1, 1], [], []>, transpose_lhs_hint = false} : vector<512x1024xbf16>, vector<1024x1024xbf16>, vector<512x1024xf32> -> vector<512x1024xf32>
    %slice3A_80 = vector.extract_strided_slice %div3A_25 {offsets = [0, 4], sizes = [512, 1], strides = [1, 1]} : vector<512x8xf32> to vector<512x1xf32>
    %mul3A_81 = vector.broadcast %slice3A_80 : vector<512x1xf32> to vector<512x1024xf32>
    %mul3A_82 = arith.mulf %mul3A_81, %dot_general3A_79 : vector<512x1024xf32>
    %add3A_83 = arith.addf %add3A_72, %mul3A_82 : vector<512x1024xf32>
    %get3A_84 = arith.constant 5 : index
    %get3A_85 = arith.constant 0 : index
    %get3A_86 = arith.constant 0 : index
    %get3A_87 = vector.load %arg6[%get3A_84, %get3A_85, %get3A_86] : memref<8x1024x1024xbf16, #tpu.memory_space<vmem>>, vector<1x1024x1024xbf16>
    %get3A_88 = vector.shape_cast %get3A_87 : vector<1x1024x1024xbf16> to vector<1024x1024xbf16>
    %dot_general3A_89 = arith.constant dense<0.000000e+00> : vector<512x1024xf32>
    %dot_general3A_90 = tpu.matmul %convert_element_type3A, %get3A_88, %dot_general3A_89 {dimension_numbers = #tpu.dot_dimension_numbers<[1], [0], [0], [1], [0, 0, 1, 1], [], []>, transpose_lhs_hint = false} : vector<512x1024xbf16>, vector<1024x1024xbf16>, vector<512x1024xf32> -> vector<512x1024xf32>
    %slice3A_91 = vector.extract_strided_slice %div3A_25 {offsets = [0, 5], sizes = [512, 1], strides = [1, 1]} : vector<512x8xf32> to vector<512x1xf32>
    %mul3A_92 = vector.broadcast %slice3A_91 : vector<512x1xf32> to vector<512x1024xf32>
    %mul3A_93 = arith.mulf %mul3A_92, %dot_general3A_90 : vector<512x1024xf32>
    %add3A_94 = arith.addf %add3A_83, %mul3A_93 : vector<512x1024xf32>
    %get3A_95 = arith.constant 6 : index
    %get3A_96 = arith.constant 0 : index
    %get3A_97 = arith.constant 0 : index
    %get3A_98 = vector.load %arg6[%get3A_95, %get3A_96, %get3A_97] : memref<8x1024x1024xbf16, #tpu.memory_space<vmem>>, vector<1x1024x1024xbf16>
    %get3A_99 = vector.shape_cast %get3A_98 : vector<1x1024x1024xbf16> to vector<1024x1024xbf16>
    %dot_general3A_100 = arith.constant dense<0.000000e+00> : vector<512x1024xf32>
    %dot_general3A_101 = tpu.matmul %convert_element_type3A, %get3A_99, %dot_general3A_100 {dimension_numbers = #tpu.dot_dimension_numbers<[1], [0], [0], [1], [0, 0, 1, 1], [], []>, transpose_lhs_hint = false} : vector<512x1024xbf16>, vector<1024x1024xbf16>, vector<512x1024xf32> -> vector<512x1024xf32>
    %slice3A_102 = vector.extract_strided_slice %div3A_25 {offsets = [0, 6], sizes = [512, 1], strides = [1, 1]} : vector<512x8xf32> to vector<512x1xf32>
    %mul3A_103 = vector.broadcast %slice3A_102 : vector<512x1xf32> to vector<512x1024xf32>
    %mul3A_104 = arith.mulf %mul3A_103, %dot_general3A_101 : vector<512x1024xf32>
    %add3A_105 = arith.addf %add3A_94, %mul3A_104 : vector<512x1024xf32>
    %get3A_106 = arith.constant 7 : index
    %get3A_107 = arith.constant 0 : index
    %get3A_108 = arith.constant 0 : index
    %get3A_109 = vector.load %arg6[%get3A_106, %get3A_107, %get3A_108] : memref<8x1024x1024xbf16, #tpu.memory_space<vmem>>, vector<1x1024x1024xbf16>
    %get3A_110 = vector.shape_cast %get3A_109 : vector<1x1024x1024xbf16> to vector<1024x1024xbf16>
    %dot_general3A_111 = arith.constant dense<0.000000e+00> : vector<512x1024xf32>
    %dot_general3A_112 = tpu.matmul %convert_element_type3A, %get3A_110, %dot_general3A_111 {dimension_numbers = #tpu.dot_dimension_numbers<[1], [0], [0], [1], [0, 0, 1, 1], [], []>, transpose_lhs_hint = false} : vector<512x1024xbf16>, vector<1024x1024xbf16>, vector<512x1024xf32> -> vector<512x1024xf32>
    %slice3A_113 = vector.extract_strided_slice %div3A_25 {offsets = [0, 7], sizes = [512, 1], strides = [1, 1]} : vector<512x8xf32> to vector<512x1xf32>
    %mul3A_114 = vector.broadcast %slice3A_113 : vector<512x1xf32> to vector<512x1024xf32>
    %mul3A_115 = arith.mulf %mul3A_114, %dot_general3A_112 : vector<512x1024xf32>
    %add3A_116 = arith.addf %add3A_105, %mul3A_115 : vector<512x1024xf32>
    %swap3A = arith.constant 0 : index
    %swap3A_117 = arith.constant 0 : index
    %swap3A_118 = arith.constant 0 : index
    %swap3A_119 = vector.load %arg8[%swap3A, %swap3A_117, %swap3A_118] : memref<1x512x1024xf32, #tpu.memory_space<vmem>>, vector<1x512x1024xf32>
    %swap3A_120 = vector.shape_cast %swap3A_119 : vector<1x512x1024xf32> to vector<512x1024xf32>
    %swap3A_121 = vector.shape_cast %add3A_116 : vector<512x1024xf32> to vector<1x512x1024xf32>
    tpu.vector_store %arg8[%swap3A, %swap3A_117, %swap3A_118], %swap3A_121 {strides = array<i32>} : memref<1x512x1024xf32, #tpu.memory_space<vmem>>, vector<1x512x1024xf32>,
    return
  }
  func.func @transform_0(%arg0: i32, %arg1: i32) -> (i32, i32, i32) {
    %c0_i32 = arith.constant 0 : i32
    %c0_i32_0 = arith.constant 0 : i32
    return %arg0, %arg1, %c0_i32 : i32, i32, i32
  }
  func.func @transform_1(%arg0: i32, %arg1: i32) -> (i32, i32) {
    %c0_i32 = arith.constant 0 : i32
    %c0_i32_0 = arith.constant 0 : i32
    %c0_i32_1 = arith.constant 0 : i32
    return %c0_i32, %c0_i32_0 : i32, i32
  }
  func.func @transform_2(%arg0: i32, %arg1: i32) -> (i32, i32) {
    %c0_i32 = arith.constant 0 : i32
    %c0_i32_0 = arith.constant 0 : i32
    %c0_i32_1 = arith.constant 0 : i32
    return %c0_i32, %c0_i32_0 : i32, i32
  }
  func.func @transform_3(%arg0: i32, %arg1: i32) -> (i32, i32) {
    %c0_i32 = arith.constant 0 : i32
    %c0_i32_0 = arith.constant 0 : i32
    %c0_i32_1 = arith.constant 0 : i32
    return %c0_i32, %c0_i32_0 : i32, i32
  }
  func.func @transform_4(%arg0: i32, %arg1: i32) -> (i32, i32, i32) {
    %c0_i32 = arith.constant 0 : i32
    %c0_i32_0 = arith.constant 0 : i32
    %c0_i32_1 = arith.constant 0 : i32
    %c0_i32_2 = arith.constant 0 : i32
    return %c0_i32, %c0_i32_0, %c0_i32_1 : i32, i32, i32
  }
  func.func @transform_5(%arg0: i32, %arg1: i32) -> (i32, i32) {
    %c0_i32 = arith.constant 0 : i32
    %c0_i32_0 = arith.constant 0 : i32
    %c0_i32_1 = arith.constant 0 : i32
    return %c0_i32, %c0_i32_0 : i32, i32
  }
  func.func @transform_6(%arg0: i32, %arg1: i32) -> (i32, i32, i32) {
    %c0_i32 = arith.constant 0 : i32
    %c0_i32_0 = arith.constant 0 : i32
    return %arg0, %arg1, %c0_i32 : i32, i32, i32
  }
}

</mosaic_0001>

<sc_bundles>
// kernel: kernel.5.cloned.1.call-start
scs
__scs_entry_jumppad:
0x0: {  	(pc) =	sbr.rel $0x88, $3  }
0x1: {  	(tag) =	ssettag $0x0;
	lr =	simm.s32 $0x1  }
0x2: {  	[smem:$0x3F95] =	sst lr;
	_ =	strace $0xD0000000  }
0x3: {  	_ = 	snop  }
0x4: {  	_ = 	snop  }
0x5: {  	_ = 	snop  }
0x6: {  	_ = 	snop  }
0x7: {  	_ = 	snop  }
__scs_overlays_trampoline_lowered:
0x8: {  	[smem:$0x3FA4] =	sst s0  }
0x9: {  	[smem:$0x3FA5] =	sst s1  }
0xa: {  	[smem:$0x3FA6] =	sst s2  }
0xb: {  	[smem:$0x3FA7] =	sst s3  }
0xc: {  	[smem:$0x3FA8] =	sst s4  }
0xd: {  	[smem:$0x3FA9] =	sst s5  }
0xe: {  	[smem:$0x3FAA] =	sst s6  }
0xf: {  	[smem:$0x3FAB] =	sst s7  }
0x10: {  	[smem:$0x3FAC] =	sst s8  }
0x11: {  	[smem:$0x3FAD] =	sst s9;
	s0 =	simm.s32 @!p0 $0x0  }
0x12: {  	s1 =	sld [smem:$0x3F93];
	s0 =	simm.s32 @p0 $0x1  }
0x13: {  	[smem:$0x3FAE] =	sst s0;
	s0 =	simm.s32 @!p1 $0x0  }
0x14: {  	s2 =	sld [smem:$0x3F92];
	s0 =	simm.s32 @p1 $0x1  }
0x15: {  	[smem:$0x3FAF] =	sst s0;
	s0 =	simm.s32 @!p2 $0x0  }
0x16: {  	s3 =	sld [smem:$0x3FDB];
	s0 =	simm.s32 @p2 $0x1  }
0x17: {  	s4 =	simm.s32 $0x1BF5;
	[smem:$0x3FB1] =	sst s0  }
0x18: {  	s0 =	sld [smem:$0x3F94];
	_ =	swait.ge [sflag:s4], $0x0  }
0x19: {  	s7 =	sld [smem:$0x3F95]  }
0x1a: {  	s8 =	sadd.s32 $0xFFFFE003, lr  }
0x1b: {  	s9 =	sadd.s32 $0xFFFFFEF7, lr;
	s5 =	simm.s32 $0xFFFFFFFF;
	p2 =	slt.u32 s8, $0xFFFFF086  }
0x1c: {  	p1 =	slt.u32 s9, $0xF7A;
	s5 =	simm.s32 @!p2 $0x0  }
0x1d: {  	s5 =	simm.s32 @p1 $0x1;
	p0 =	seq.s32 s7, s2  }
0x1e: {  	s7 =	smul.u32 @!p0 $0xF7A, s2;
	p2 =	seq.s32 @!p0 s5, $0x0  }
0x1f: {  	s9 =	smul.u32 $0xF7A, s1;
	s8 =	simm.s32 @!p0 $0x1BF5;
	p2 =	por !p2, p0  }
0x20: {  	[sflag:s8] =	ssyncset.s32 @!p0 $0xFFFFF086;
	s6 =	sadd.s32 @!p0 s3, s7;
	s7 =	simm.s32 @!p0 $0x108  }
0x21: {  	s3 =	sadd.s32 s3, s9;
	s6 =	sadd.s32 @!p0 $0x88, s6;
	s7 =	simm.s32 @p2 $0x1082  }
0x22: {  	[simem:s7], [sflag:s8] =	dma.local @!p0 [hbm:s6], $0xF7A  }
0x23: {  	s9 =	sor.u32 $0xD0000000, s2;
	s6 =	simm.s32 $0x108;
	_ =	swait.ge @!p0 [sflag:s8], $0x0  }
0x24: {  	s3 =	sadd.s32 $0x88, s3;
	s6 =	simm.s32 @!p1 $0x1082;
	[sflag:s4] =	ssyncset.s32 $0xFFFFF086  }
0x25: {  	[simem:s6], [sflag:s4] =	dma.local [hbm:s3], $0xF7A  }
0x26: {  	[smem:$0x3F95] =	sst s1;
	(tag) =	ssettag s2;
	_ =	strace s9  }
0x27: {  	s1 =	sld [smem:$0x3FA5]  }
0x28: {  	s2 =	sld [smem:$0x3FA6]  }
0x29: {  	s4 =	sld [smem:$0x3FA8]  }
0x2a: {  	p0 =	seq.s32 s5, $0x0;
	s5 =	sld [smem:$0x3FA9]  }
0x2b: {  	s6 =	sld [smem:$0x3FAA]  }
0x2c: {  	s7 =	sld [smem:$0x3FAB]  }
0x2d: {  	s3 =	simm.s32 $0x108;
	s8 =	sld [smem:$0x3FAC]  }
0x2e: {  	s3 =	simm.s32 @!p0 $0x1082;
	s9 =	sld [smem:$0x3FAD]  }
0x2f: {  	lr =	sadd.s32 s0, s3;
	s0 =	sld [smem:$0x3FA4]  }
0x30: {  	s3 =	sld [smem:$0x3FA7]  }
0x31: {  	[smem:$0x3FB0] =	sst s10  }
0x32: {  	s10 =	sld [smem:$0x3FAE];
	_ =	sdelay $0x3  }
0x33: {  	p0 =	seq.s32 s10, $0x1;
	s10 =	sld [smem:$0x3FB0];
	_ =	sdelay $0x3  }
0x34: {  	[smem:$0x3FB0] =	sst s10  }
0x35: {  	s10 =	sld [smem:$0x3FAF];
	_ =	sdelay $0x3  }
0x36: {  	p1 =	seq.s32 s10, $0x1;
	s10 =	sld [smem:$0x3FB0];
	_ =	sdelay $0x3  }
0x37: {  	[smem:$0x3FB0] =	sst s10  }
0x38: {  	s10 =	sld [smem:$0x3FB1]  }
0x39: {  	_ = 	snop;
	(pc) =	sbr.ind lr, $3  }
0x3a: {  	_ = 	snop  }
0x3b: {  	_ = 	snop  }
0x3c: {  	p2 =	seq.s32 s10, $0x1;
	s10 =	sld [smem:$0x3FB0]  }
0x3d: {  	_ =	shalt  }
0x3e: {  	_ =	shalt  }
0x3f: {  	_ =	shalt  }
0x40: {  	_ =	shalt  }
0x41: {  	_ =	shalt  }
0x42: {  	_ =	shalt  }
0x43: {  	_ =	shalt  }
0x44: {  	_ =	shalt  }
0x45: {  	_ =	shalt  }
0x46: {  	_ =	shalt  }
0x47: {  	_ =	shalt  }
0x48: {  	_ =	shalt  }
0x49: {  	_ =	shalt  }
0x4a: {  	_ =	shalt  }
0x4b: {  	_ =	shalt  }
0x4c: {  	_ =	shalt  }
0x4d: {  	_ =	shalt  }
0x4e: {  	_ =	shalt  }
0x4f: {  	_ =	shalt  }
0x50: {  	_ =	shalt  }
0x51: {  	_ =	shalt  }
0x52: {  	_ =	shalt  }
0x53: {  	_ =	shalt  }
0x54: {  	_ =	shalt  }
0x55: {  	_ =	shalt  }
0x56: {  	_ =	shalt  }
0x57: {  	_ =	shalt  }
0x58: {  	_ =	shalt  }
0x59: {  	_ =	shalt  }
0x5a: {  	_ =	shalt  }
0x5b: {  	_ =	shalt  }
0x5c: {  	_ =	shalt  }
0x5d: {  	_ =	shalt  }
0x5e: {  	_ =	shalt  }
0x5f: {  	_ =	shalt  }
0x60: {  	_ =	shalt  }
0x61: {  	_ =	shalt  }
0x62: {  	_ =	shalt  }
0x63: {  	_ =	shalt  }
0x64: {  	_ =	shalt  }
0x65: {  	_ =	shalt  }
0x66: {  	_ =	shalt  }
0x67: {  	_ =	shalt  }
0x68: {  	_ =	shalt  }
0x69: {  	_ =	shalt  }
0x6a: {  	_ =	shalt  }
0x6b: {  	_ =	shalt  }
0x6c: {  	_ =	shalt  }
0x6d: {  	_ =	shalt  }
0x6e: {  	_ =	shalt  }
0x6f: {  	_ =	shalt  }
0x70: {  	_ =	shalt  }
0x71: {  	_ =	shalt  }
0x72: {  	_ =	shalt  }
0x73: {  	_ =	shalt  }
0x74: {  	_ =	shalt  }
0x75: {  	_ =	shalt  }
0x76: {  	_ =	shalt  }
0x77: {  	_ =	shalt  }
0x78: {  	_ =	shalt  }
0x79: {  	_ =	shalt  }
0x7a: {  	_ =	shalt  }
0x7b: {  	_ =	shalt  }
0x7c: {  	_ =	shalt  }
0x7d: {  	_ =	shalt  }
0x7e: {  	_ =	shalt  }
0x7f: {  	_ =	shalt  }
0x80: {  	_ =	shalt  }
0x81: {  	_ =	shalt  }
0x82: {  	_ =	shalt  }
0x83: {  	_ =	shalt  }
0x84: {  	_ =	shalt  }
0x85: {  	_ =	shalt  }
0x86: {  	_ =	shalt  }
0x87: {  	_ =	shalt  }
.Lfunc_end0:
.L_simem_size_0:
called_computation_lowered:
.L_overlay_start_0:
0x88: {  	s2 =	sld [smem:$0x3FD9]  }
0x89: {  	s3 =	sld [smem:$0x3FFE];
	_ =	sdelay $0x1  }
0x8a: {  	s1 =	srdreg.scid  }
0x8b: {  	s0 =	sand.u32 $0x1, s1  }
0x8c: {  	s17 =	sshll.u32 s0, $0xA;
	s2 =	sadd.s32 s3, s2  }
0x8d: {  	s2 =	sadd.s32 s2, s17  }
0x8e: {  	[smem:$0x3FBC] =	sst s2  }
0x8f: {  	_ = 	snop  }
0x90: {  	s2 =	sld [smem:$0x3FC6]  }
0x91: {  	s18 =	sld [smem:$0x3FD0];
	(tm) =	ssettm $0x1  }
0x92: {  	s4 =	sld [smem:$0x3FFB];
	_ =	sdelay $0x3  }
0x93: {  	_ =	strace s4  }
0x94: {  	s4 =	sld [smem:$0x3FFC];
	_ =	sdelay $0x3  }
0x95: {  	_ =	strace s4  }
0x96: {  	s4 =	sld [smem:$0x3FFD];
	_ =	sdelay $0x3  }
0x97: {  	_ =	strace s4  }
0x98: {  	_ =	strace $0x8FFFFFFF  }
0x99: {  	s19 =	sld [smem:$0x3FDB];
	_ =	sdelay $0x1  }
0x9a: {  	s5 =	simm.s32 $_scs_section_size  }
0x9b: {  	s6 =	simm.s32 $_size__tile_overlayer_lowered;
	s7 =	simm.s32 $_tile_overlayer_lowered  }
0x9c: {  	s22 =	simm.s32 $0x1BFF;
	s21 =	sshll.u32 s7, $0x1;
	s4 =	sadd.s32 s5, s19  }
0x9d: {  	s8 =	simm.s32 $0x0;
	s20 =	sshll.u32 s6, $0x1;
	s6 =	sadd.s32 s21, s4  }
0x9e: {  	[timem:s8], [sflag:s22] =	dma.local [hbm:s6], s20  }
0x9f: {  	_ =	swait.ge [sflag:s22], s20  }
0xa0: {  	s5 =	ssub.s32 $0x0, s20;
	[sflag:s22] =	ssyncset.done $0x0  }
0xa1: {  	[sflag:s22] =	ssyncadd.s32 s5;
	_ =	sdelay $0x1  }
0xa2: {  	s23 =	simm.s32 $0x1B8B  }
0xa3: {  	_ =	swait.ge [sflag:s23], $0x1  }
0xa4: {  	[sflag:s23] =	ssyncset.done $0x0  }
0xa5: {  	s25 =	simm.s32 $0x1B8E;
	s24 =	sld [smem:$0x3FFE];
	[sflag:s23] =	ssyncadd.s32 $0xFFFFFFFF  }
0xa6: {  	s26 =	simm.s32 $execute0_lowered;
	[smem:$0x3FD2] =	sst s25  }
0xa7: {  	s6 =	sshll.u32 s26, $0x1;
	_ =	strace $0x80000046;
	[dreg:$0x1] =	wrdreg $0xFFFFFFFF  }
0xa8: {  	s28 =	simm.s32 $_size_execute0_lowered;
	s4 =	sadd.s32 s4, s6;
	[dreg:$0x0] =	wrdreg $0x0  }
0xa9: {  	s6 =	sshll.u32 s28, $0x1;
	[dreg:$0x2] =	wrdreg s4  }
0xaa: {  	[dreg:$0x3] =	wrdreg s6  }
0xab: {  	[dreg:$0x4] =	wrdreg $0xC0  }
0xac: {  	_ =	task [dreg:s8], $0x5FFFF  }
0xad: {  	[dreg:$0x1] =	wrdreg $0xFFFFFFFF  }
0xae: {  	[dreg:$0x0] =	wrdreg $0x60  }
0xaf: {  	[dreg:$0x2] =	wrdreg s2  }
0xb0: {  	[dreg:$0x3] =	wrdreg s18  }
0xb1: {  	[dreg:$0x4] =	wrdreg s24  }
0xb2: {  	[dreg:$0x5] =	wrdreg $0x9  }
0xb3: {  	_ =	task.clear_ibuf [dreg:s8], $0x6FFFF;
	_ =	strace $0x90000046  }
0xb4: {  	s29 =	simm.s32 $0x9;
	_ =	strace $0x80000048  }
0xb5: {  	_ =	swait.ge [sflag:s29], $0x1  }
0xb6: {  	[sflag:s29] =	ssyncadd.s32 $0xFFFFFFFF  }
0xb7: {  	_ =	strace $0x90000048  }
0xb8: {  	_ =	sfence  }
0xb9: {  	s30 =	sld [smem:$0x0];
	_ =	sdelay $0x2  }
0xba: {  	s31 =	sshll.u32 s1, $0xD;
	s1 =	sshrl.u32 s1, $0x2  }
0xbb: {  	s3 =	sand.u32 $0x4000, s31;
	s1 =	sadd.s32 s1, s30  }
0xbc: {  	s0 =	sor.u32 s3, s0;
	s1 =	sshll.u32 s1, $0x11  }
0xbd: {  	s0 =	sor.u32 s1, s0  }
0xbe: {  	s0 =	sadd.s32 $0x8F2B, s0  }
0xbf: {  	[sflag:s0] =	ssyncadd.remote.s32 $0x1  }
0xc0: {  	_ =	sfence.sel $0xFFFF  }
0xc1: {  	[dreg:$0x0] =	wrdreg $0xFFFFFFFF;
	(pc) =	sbr.abs _section_cstart, $3  }
0xc2: {  	[dreg:$0x1] =	wrdreg $0xFFFFFFFF  }
0xc3: {  	_ =	task.clear_ibuf [dreg:s8], $0x2FFFF;
	_ =	strace $0x9FFFFFFF  }
0xc4: {  	(tm) =	ssettm $0x7FFFFFFF  }
0xc5: {  	_ =	shalt  }
tec
execute0_lowered:
.L_overlay_start_1:
0x0: {  	(tag) =	ssettag $0x1  }
0x1: {  	s1 =	rddreg [dreg:$0x0]  }
0x2: {  	s0 =	rddreg [dreg:$0x1]  }
0x3: {  	s4 =	rddreg [dreg:$0x2]  }
0x4: {  	s3 =	srdreg.scid;
	s2 =	stileid.u32  }
0x5: {  	s15 =	simm.s32 $0x80;
	s16 =	simm.s32 $0x880;
	s17 =	simm.s32 $0x1080  }
0x6: {  	s18 =	simm.s32 $0x1880;
	s19 =	simm.s32 $0x2080;
	s20 =	simm.s32 $0x2880  }
0x7: {  	s28 =	simm.s32 $0x6080;
	s29 =	simm.s32 $0x6880;
	s30 =	simm.s32 $0x7080  }
0x8: {  	s31 =	simm.s32 $0x7880;
	s5 =	sand.u32 $0x1, s3;
	s3 =	simm.s32 $0x0  }
0x9: {  	s6 =	sshll.u32 s2, $0x8;
	s12 =	sadd.s32 $0x1C00, s4;
	s4 =	sadd.s32 $0x100, s1  }
0xa: {  	s7 =	sshll.u32 s5, $0x7;
	[smem:$0x7FF] =	sst s3;
	s5 =	ssub.s32 $0x2, s5  }
0xb: {  	s10 =	sor.u32 s7, s6;
	_ =	strace $0x80000047;
	s21 =	sshrl.u32 s5, $0x1  }
0xc: {  	s6 =	sshrl.u32 s10, $0x3;
	s13 =	ssub.s32 s5, s21;
	s22 =	sshll.u32 s10, $0x7  }
0xd: {  	s5 =	sadd.s32 $0x200, s1;
	s24 =	sor.u32 $0x20, s10;
	s11 =	sor.u32 $0x40, s10  }
0xe: {  	s14 =	sor.u32 $0x60, s10;
	s21 =	simm.s32 $0x3080;
	s6 =	sadd.s32 s0, s6  }
0xf: {  	s23 =	sadd.s32 s12, s22;
	s8 =	sshrl.u32 s24, $0x3;
	s9 =	sshll.u32 s24, $0x7  }
0x10: {  	s25 =	sshrl.u32 s11, $0x3;
	s11 =	sshll.u32 s11, $0x7;
	s26 =	sshrl.u32 s14, $0x3  }
0x11: {  	s14 =	sshll.u32 s14, $0x7;
	s13 =	smax.u32 s13, $0x1;
	s22 =	simm.s32 $0x3880  }
0x12: {  	s24 =	simm.s32 $0x4880;
	[dreg:$0x4] =	wrdreg s6;
	s6 =	sadd.s32 $0x300, s1  }
0x13: {  	[dreg:$0x5] =	wrdreg s23;
	s7 =	sadd.s32 s0, s8;
	s8 =	sadd.s32 s12, s9  }
0x14: {  	v2 =	vlaneseq.u32;
	s9 =	sadd.s32 s0, s25;
	s10 =	sadd.s32 s12, s11;
	s11 =	sadd.s32 s0, s26  }
0x15: {  	vm0 =	vmmov $0xffff;
	v1 =	vshrl.u32 v2, $0x3;
	s12 =	sadd.s32 s12, s14;
	s14 =	simm.s32 $0x2;
	s23 =	simm.s32 $0x4080  }
0x16: {  	v0 =	vand.u32 $0x7, v2;
	v2 =	vor.u32 $0x8, v2;
	v1 =	vmul.u32 $0x8, v1;
	s25 =	simm.s32 $0x5080;
	s26 =	simm.s32 $0x5880;
	s0 =	simm.s32 $0x1  }
.LBB2_1:
0x17: {  	s2 =	rddreg [dreg:$0x4]  }
0x18: {  	[tilespmem:s3], [sflag:$0x2] =	stream.linear.gather [hbm4b:s2+s3], $0x20, $0x38;
	[tilespmem:$0x8080] =	vst v63  }
0x19: {  	_ =	swait.ge [sflag:s14], $0x20  }
0x1a: {  	[sflag:s14] =	ssyncset.done $0x0  }
0x1b: {  	[sflag:s14] =	ssyncadd.s32 $0xFFFFFFE0  }
0x1c: {  	v3 =	vld [tilespmem:$0x0];
	_ =	sdelay $0x4  }
0x1d: {  	v4 =	vshll.u32 v3, $0x3  }
0x1e: {  	v3 =	vand.u32 $0x7, v3;
	v4 =	vand.u32 $0xFFFFFFC0, v4  }
0x1f: {  	v3 =	vor.u32 v3, v4  }
0x20: {  	v4 =	vperm.xlane v3, v0;
	_ =	sdelay $0x1  }
0x21: {  	v4 =	vadd.s32 v1, v4;
	_ =	sdelay $0x4  }
0x22: {  	[tilespmem:s15], [sflag:$0x1] =	stream.indirect_vreg.gather [hbm4b:s1+s3], $0x80, v4, vm0, $0xb8;
	[tilespmem:$0x8080] =	vst v63  }
0x23: {  	v3 =	vperm.xlane v3, v2  }
0x24: {  	[tilespmem:s16], [sflag:$0x1] =	stream.indirect_vreg.gather [hbm4b:s4+s3], $0x80, v4, vm0, $0xb8;
	[tilespmem:$0x8080] =	vst v63  }
0x25: {  	v3 =	vadd.s32 v1, v3  }
0x26: {  	[tilespmem:s17], [sflag:$0x1] =	stream.indirect_vreg.gather [hbm4b:s5+s3], $0x80, v4, vm0, $0xb8;
	[tilespmem:$0x8080] =	vst v63  }
0x27: {  	_ = 	snop  }
0x28: {  	[tilespmem:s18], [sflag:$0x1] =	stream.indirect_vreg.gather [hbm4b:s6+s3], $0x80, v4, vm0, $0xb8;
	[tilespmem:$0x8080] =	vst v63  }
0x29: {  	_ = 	snop  }
0x2a: {  	[tilespmem:s19], [sflag:$0x1] =	stream.indirect_vreg.gather [hbm4b:s1+s3], $0x80, v3, vm0, $0xb8;
	[tilespmem:$0x8080] =	vst v63  }
0x2b: {  	_ = 	snop  }
0x2c: {  	[tilespmem:s20], [sflag:$0x1] =	stream.indirect_vreg.gather [hbm4b:s4+s3], $0x80, v3, vm0, $0xb8;
	[tilespmem:$0x8080] =	vst v63  }
0x2d: {  	_ = 	snop  }
0x2e: {  	[tilespmem:s21], [sflag:$0x1] =	stream.indirect_vreg.gather [hbm4b:s5+s3], $0x80, v3, vm0, $0xb8;
	[tilespmem:$0x8080] =	vst v63  }
0x2f: {  	_ = 	snop  }
0x30: {  	[tilespmem:s22], [sflag:$0x1] =	stream.indirect_vreg.gather [hbm4b:s6+s3], $0x80, v3, vm0, $0xb8;
	[tilespmem:$0x8080] =	vst v63  }
0x31: {  	v3 =	vld [tilespmem:$0x10];
	_ =	sdelay $0x4  }
0x32: {  	v57 =	vshll.u32 v3, $0x3  }
0x33: {  	v3 =	vand.u32 $0x7, v3;
	v4 =	vand.u32 $0xFFFFFFC0, v57  }
0x34: {  	v3 =	vor.u32 v3, v4  }
0x35: {  	v4 =	vperm.xlane v3, v0;
	_ =	sdelay $0x1  }
0x36: {  	v4 =	vadd.s32 v1, v4;
	_ =	sdelay $0x4  }
0x37: {  	[tilespmem:s23], [sflag:$0x1] =	stream.indirect_vreg.gather [hbm4b:s1+s3], $0x80, v4, vm0, $0xb8;
	[tilespmem:$0x8080] =	vst v63  }
0x38: {  	v3 =	vperm.xlane v3, v2  }
0x39: {  	[tilespmem:s24], [sflag:$0x1] =	stream.indirect_vreg.gather [hbm4b:s4+s3], $0x80, v4, vm0, $0xb8;
	[tilespmem:$0x8080] =	vst v63  }
0x3a: {  	v3 =	vadd.s32 v1, v3  }
0x3b: {  	[tilespmem:s25], [sflag:$0x1] =	stream.indirect_vreg.gather [hbm4b:s5+s3], $0x80, v4, vm0, $0xb8;
	[tilespmem:$0x8080] =	vst v63  }
0x3c: {  	_ = 	snop  }
0x3d: {  	[tilespmem:s26], [sflag:$0x1] =	stream.indirect_vreg.gather [hbm4b:s6+s3], $0x80, v4, vm0, $0xb8;
	[tilespmem:$0x8080] =	vst v63  }
0x3e: {  	_ = 	snop  }
0x3f: {  	[tilespmem:s28], [sflag:$0x1] =	stream.indirect_vreg.gather [hbm4b:s1+s3], $0x80, v3, vm0, $0xb8;
	[tilespmem:$0x8080] =	vst v63  }
0x40: {  	_ = 	snop  }
0x41: {  	[tilespmem:s29], [sflag:$0x1] =	stream.indirect_vreg.gather [hbm4b:s4+s3], $0x80, v3, vm0, $0xb8;
	[tilespmem:$0x8080] =	vst v63  }
0x42: {  	_ = 	snop  }
0x43: {  	[tilespmem:s30], [sflag:$0x1] =	stream.indirect_vreg.gather [hbm4b:s5+s3], $0x80, v3, vm0, $0xb8;
	[tilespmem:$0x8080] =	vst v63  }
0x44: {  	_ = 	snop  }
0x45: {  	[tilespmem:s31], [sflag:$0x1] =	stream.indirect_vreg.gather [hbm4b:s6+s3], $0x80, v3, vm0, $0xb8;
	[tilespmem:$0x8080] =	vst v63  }
0x46: {  	_ =	swait.ge [sflag:s0], $0x8000  }
0x47: {  	[sflag:s0] =	ssyncset.done $0x0  }
0x48: {  	s2 =	rddreg [dreg:$0x5];
	[sflag:s0] =	ssyncadd.s32 $0xFFFF8000  }
0x49: {  	[hbm4b:s2+s3] =	stream.linear.scatter [tilespmem:s15], [sflag:$0x2], $0x8000, $0x38;
	[tilespmem:$0x8080] =	vst v63  }
0x4a: {  	_ =	swait.ge [sflag:s14], $0x8000  }
0x4b: {  	[sflag:s14] =	ssyncset.done $0x0  }
0x4c: {  	[sflag:s14] =	ssyncadd.s32 $0xFFFF8000  }
0x4d: {  	[tilespmem:s3], [sflag:$0x2] =	stream.linear.gather [hbm4b:s7+s3], $0x20, $0x38;
	[tilespmem:$0x8080] =	vst v63  }
0x4e: {  	_ =	swait.ge [sflag:s14], $0x20  }
0x4f: {  	[sflag:s14] =	ssyncset.done $0x0  }
0x50: {  	[sflag:s14] =	ssyncadd.s32 $0xFFFFFFE0  }
0x51: {  	v3 =	vld [tilespmem:$0x0];
	_ =	sdelay $0x4  }
0x52: {  	v58 =	vshll.u32 v3, $0x3  }
0x53: {  	v3 =	vand.u32 $0x7, v3;
	v4 =	vand.u32 $0xFFFFFFC0, v58  }
0x54: {  	v3 =	vor.u32 v3, v4  }
0x55: {  	v4 =	vperm.xlane v3, v0;
	_ =	sdelay $0x1  }
0x56: {  	v4 =	vadd.s32 v1, v4;
	_ =	sdelay $0x4  }
0x57: {  	[tilespmem:s15], [sflag:$0x1] =	stream.indirect_vreg.gather [hbm4b:s1+s3], $0x80, v4, vm0, $0xb8;
	[tilespmem:$0x8080] =	vst v63  }
0x58: {  	v3 =	vperm.xlane v3, v2  }
0x59: {  	[tilespmem:s16], [sflag:$0x1] =	stream.indirect_vreg.gather [hbm4b:s4+s3], $0x80, v4, vm0, $0xb8;
	[tilespmem:$0x8080] =	vst v63  }
0x5a: {  	v3 =	vadd.s32 v1, v3  }
0x5b: {  	[tilespmem:s17], [sflag:$0x1] =	stream.indirect_vreg.gather [hbm4b:s5+s3], $0x80, v4, vm0, $0xb8;
	[tilespmem:$0x8080] =	vst v63  }
0x5c: {  	_ = 	snop  }
0x5d: {  	[tilespmem:s18], [sflag:$0x1] =	stream.indirect_vreg.gather [hbm4b:s6+s3], $0x80, v4, vm0, $0xb8;
	[tilespmem:$0x8080] =	vst v63  }
0x5e: {  	_ = 	snop  }
0x5f: {  	[tilespmem:s19], [sflag:$0x1] =	stream.indirect_vreg.gather [hbm4b:s1+s3], $0x80, v3, vm0, $0xb8;
	[tilespmem:$0x8080] =	vst v63  }
0x60: {  	_ = 	snop  }
0x61: {  	[tilespmem:s20], [sflag:$0x1] =	stream.indirect_vreg.gather [hbm4b:s4+s3], $0x80, v3, vm0, $0xb8;
	[tilespmem:$0x8080] =	vst v63  }
0x62: {  	_ = 	snop  }
0x63: {  	[tilespmem:s21], [sflag:$0x1] =	stream.indirect_vreg.gather [hbm4b:s5+s3], $0x80, v3, vm0, $0xb8;
	[tilespmem:$0x8080] =	vst v63  }
0x64: {  	_ = 	snop  }
0x65: {  	[tilespmem:s22], [sflag:$0x1] =	stream.indirect_vreg.gather [hbm4b:s6+s3], $0x80, v3, vm0, $0xb8;
	[tilespmem:$0x8080] =	vst v63  }
0x66: {  	v3 =	vld [tilespmem:$0x10];
	_ =	sdelay $0x4  }
0x67: {  	v59 =	vshll.u32 v3, $0x3  }
0x68: {  	v3 =	vand.u32 $0x7, v3;
	v4 =	vand.u32 $0xFFFFFFC0, v59  }
0x69: {  	v3 =	vor.u32 v3, v4  }
0x6a: {  	v4 =	vperm.xlane v3, v0;
	_ =	sdelay $0x1  }
0x6b: {  	v4 =	vadd.s32 v1, v4;
	_ =	sdelay $0x4  }
0x6c: {  	[tilespmem:s23], [sflag:$0x1] =	stream.indirect_vreg.gather [hbm4b:s1+s3], $0x80, v4, vm0, $0xb8;
	[tilespmem:$0x8080] =	vst v63  }
0x6d: {  	v3 =	vperm.xlane v3, v2  }
0x6e: {  	[tilespmem:s24], [sflag:$0x1] =	stream.indirect_vreg.gather [hbm4b:s4+s3], $0x80, v4, vm0, $0xb8;
	[tilespmem:$0x8080] =	vst v63  }
0x6f: {  	v3 =	vadd.s32 v1, v3  }
0x70: {  	[tilespmem:s25], [sflag:$0x1] =	stream.indirect_vreg.gather [hbm4b:s5+s3], $0x80, v4, vm0, $0xb8;
	[tilespmem:$0x8080] =	vst v63  }
0x71: {  	_ = 	snop  }
0x72: {  	[tilespmem:s26], [sflag:$0x1] =	stream.indirect_vreg.gather [hbm4b:s6+s3], $0x80, v4, vm0, $0xb8;
	[tilespmem:$0x8080] =	vst v63  }
0x73: {  	_ = 	snop  }
0x74: {  	[tilespmem:s28], [sflag:$0x1] =	stream.indirect_vreg.gather [hbm4b:s1+s3], $0x80, v3, vm0, $0xb8;
	[tilespmem:$0x8080] =	vst v63  }
0x75: {  	_ = 	snop  }
0x76: {  	[tilespmem:s29], [sflag:$0x1] =	stream.indirect_vreg.gather [hbm4b:s4+s3], $0x80, v3, vm0, $0xb8;
	[tilespmem:$0x8080] =	vst v63  }
0x77: {  	_ = 	snop  }
0x78: {  	[tilespmem:s30], [sflag:$0x1] =	stream.indirect_vreg.gather [hbm4b:s5+s3], $0x80, v3, vm0, $0xb8;
	[tilespmem:$0x8080] =	vst v63  }
0x79: {  	_ = 	snop  }
0x7a: {  	[tilespmem:s31], [sflag:$0x1] =	stream.indirect_vreg.gather [hbm4b:s6+s3], $0x80, v3, vm0, $0xb8;
	[tilespmem:$0x8080] =	vst v63  }
0x7b: {  	_ =	swait.ge [sflag:s0], $0x8000  }
0x7c: {  	[sflag:s0] =	ssyncset.done $0x0  }
0x7d: {  	[sflag:s0] =	ssyncadd.s32 $0xFFFF8000  }
0x7e: {  	[hbm4b:s8+s3] =	stream.linear.scatter [tilespmem:s15], [sflag:$0x2], $0x8000, $0x38;
	[tilespmem:$0x8080] =	vst v63  }
0x7f: {  	_ =	swait.ge [sflag:s14], $0x8000  }
0x80: {  	[sflag:s14] =	ssyncset.done $0x0  }
0x81: {  	[sflag:s14] =	ssyncadd.s32 $0xFFFF8000  }
0x82: {  	[tilespmem:s3], [sflag:$0x2] =	stream.linear.gather [hbm4b:s9+s3], $0x20, $0x38;
	[tilespmem:$0x8080] =	vst v63  }
0x83: {  	_ =	swait.ge [sflag:s14], $0x20  }
0x84: {  	[sflag:s14] =	ssyncset.done $0x0  }
0x85: {  	[sflag:s14] =	ssyncadd.s32 $0xFFFFFFE0  }
0x86: {  	v3 =	vld [tilespmem:$0x0];
	_ =	sdelay $0x4  }
0x87: {  	v60 =	vshll.u32 v3, $0x3  }
0x88: {  	v3 =	vand.u32 $0x7, v3;
	v4 =	vand.u32 $0xFFFFFFC0, v60  }
0x89: {  	v3 =	vor.u32 v3, v4  }
0x8a: {  	v4 =	vperm.xlane v3, v0;
	_ =	sdelay $0x1  }
0x8b: {  	v4 =	vadd.s32 v1, v4;
	_ =	sdelay $0x4  }
0x8c: {  	[tilespmem:s15], [sflag:$0x1] =	stream.indirect_vreg.gather [hbm4b:s1+s3], $0x80, v4, vm0, $0xb8;
	[tilespmem:$0x8080] =	vst v63  }
0x8d: {  	v3 =	vperm.xlane v3, v2  }
0x8e: {  	[tilespmem:s16], [sflag:$0x1] =	stream.indirect_vreg.gather [hbm4b:s4+s3], $0x80, v4, vm0, $0xb8;
	[tilespmem:$0x8080] =	vst v63  }
0x8f: {  	v3 =	vadd.s32 v1, v3  }
0x90: {  	[tilespmem:s17], [sflag:$0x1] =	stream.indirect_vreg.gather [hbm4b:s5+s3], $0x80, v4, vm0, $0xb8;
	[tilespmem:$0x8080] =	vst v63  }
0x91: {  	_ = 	snop  }
0x92: {  	[tilespmem:s18], [sflag:$0x1] =	stream.indirect_vreg.gather [hbm4b:s6+s3], $0x80, v4, vm0, $0xb8;
	[tilespmem:$0x8080] =	vst v63  }
0x93: {  	_ = 	snop  }
0x94: {  	[tilespmem:s19], [sflag:$0x1] =	stream.indirect_vreg.gather [hbm4b:s1+s3], $0x80, v3, vm0, $0xb8;
	[tilespmem:$0x8080] =	vst v63  }
0x95: {  	_ = 	snop  }
0x96: {  	[tilespmem:s20], [sflag:$0x1] =	stream.indirect_vreg.gather [hbm4b:s4+s3], $0x80, v3, vm0, $0xb8;
	[tilespmem:$0x8080] =	vst v63  }
0x97: {  	_ = 	snop  }
0x98: {  	[tilespmem:s21], [sflag:$0x1] =	stream.indirect_vreg.gather [hbm4b:s5+s3], $0x80, v3, vm0, $0xb8;
	[tilespmem:$0x8080] =	vst v63  }
0x99: {  	_ = 	snop  }
0x9a: {  	[tilespmem:s22], [sflag:$0x1] =	stream.indirect_vreg.gather [hbm4b:s6+s3], $0x80, v3, vm0, $0xb8;
	[tilespmem:$0x8080] =	vst v63  }
0x9b: {  	v3 =	vld [tilespmem:$0x10];
	_ =	sdelay $0x4  }
0x9c: {  	v61 =	vshll.u32 v3, $0x3  }
0x9d: {  	v3 =	vand.u32 $0x7, v3;
	v4 =	vand.u32 $0xFFFFFFC0, v61  }
0x9e: {  	v3 =	vor.u32 v3, v4  }
0x9f: {  	v4 =	vperm.xlane v3, v0;
	_ =	sdelay $0x1  }
0xa0: {  	v4 =	vadd.s32 v1, v4;
	_ =	sdelay $0x4  }
0xa1: {  	[tilespmem:s23], [sflag:$0x1] =	stream.indirect_vreg.gather [hbm4b:s1+s3], $0x80, v4, vm0, $0xb8;
	[tilespmem:$0x8080] =	vst v63  }
0xa2: {  	v3 =	vperm.xlane v3, v2  }
0xa3: {  	[tilespmem:s24], [sflag:$0x1] =	stream.indirect_vreg.gather [hbm4b:s4+s3], $0x80, v4, vm0, $0xb8;
	[tilespmem:$0x8080] =	vst v63  }
0xa4: {  	v3 =	vadd.s32 v1, v3  }
0xa5: {  	[tilespmem:s25], [sflag:$0x1] =	stream.indirect_vreg.gather [hbm4b:s5+s3], $0x80, v4, vm0, $0xb8;
	[tilespmem:$0x8080] =	vst v63  }
0xa6: {  	_ = 	snop  }
0xa7: {  	[tilespmem:s26], [sflag:$0x1] =	stream.indirect_vreg.gather [hbm4b:s6+s3], $0x80, v4, vm0, $0xb8;
	[tilespmem:$0x8080] =	vst v63  }
0xa8: {  	_ = 	snop  }
0xa9: {  	[tilespmem:s28], [sflag:$0x1] =	stream.indirect_vreg.gather [hbm4b:s1+s3], $0x80, v3, vm0, $0xb8;
	[tilespmem:$0x8080] =	vst v63  }
0xaa: {  	_ = 	snop  }
0xab: {  	[tilespmem:s29], [sflag:$0x1] =	stream.indirect_vreg.gather [hbm4b:s4+s3], $0x80, v3, vm0, $0xb8;
	[tilespmem:$0x8080] =	vst v63  }
0xac: {  	_ = 	snop  }
0xad: {  	[tilespmem:s30], [sflag:$0x1] =	stream.indirect_vreg.gather [hbm4b:s5+s3], $0x80, v3, vm0, $0xb8;
	[tilespmem:$0x8080] =	vst v63  }
0xae: {  	_ = 	snop  }
0xaf: {  	[tilespmem:s31], [sflag:$0x1] =	stream.indirect_vreg.gather [hbm4b:s6+s3], $0x80, v3, vm0, $0xb8;
	[tilespmem:$0x8080] =	vst v63  }
0xb0: {  	_ =	swait.ge [sflag:s0], $0x8000  }
0xb1: {  	[sflag:s0] =	ssyncset.done $0x0  }
0xb2: {  	[sflag:s0] =	ssyncadd.s32 $0xFFFF8000  }
0xb3: {  	[hbm4b:s10+s3] =	stream.linear.scatter [tilespmem:s15], [sflag:$0x2], $0x8000, $0x38;
	[tilespmem:$0x8080] =	vst v63  }
0xb4: {  	_ =	swait.ge [sflag:s14], $0x8000  }
0xb5: {  	[sflag:s14] =	ssyncset.done $0x0  }
0xb6: {  	[sflag:s14] =	ssyncadd.s32 $0xFFFF8000  }
0xb7: {  	[tilespmem:s3], [sflag:$0x2] =	stream.linear.gather [hbm4b:s11+s3], $0x20, $0x38;
	[tilespmem:$0x8080] =	vst v63  }
0xb8: {  	_ =	swait.ge [sflag:s14], $0x20  }
0xb9: {  	[sflag:s14] =	ssyncset.done $0x0  }
0xba: {  	[sflag:s14] =	ssyncadd.s32 $0xFFFFFFE0  }
0xbb: {  	v3 =	vld [tilespmem:$0x0];
	_ =	sdelay $0x4  }
0xbc: {  	v62 =	vshll.u32 v3, $0x3  }
0xbd: {  	v3 =	vand.u32 $0x7, v3;
	v4 =	vand.u32 $0xFFFFFFC0, v62  }
0xbe: {  	v3 =	vor.u32 v3, v4  }
0xbf: {  	v4 =	vperm.xlane v3, v0;
	_ =	sdelay $0x1  }
0xc0: {  	v4 =	vadd.s32 v1, v4;
	_ =	sdelay $0x4  }
0xc1: {  	[tilespmem:s15], [sflag:$0x1] =	stream.indirect_vreg.gather [hbm4b:s1+s3], $0x80, v4, vm0, $0xb8;
	[tilespmem:$0x8080] =	vst v63  }
0xc2: {  	v3 =	vperm.xlane v3, v2  }
0xc3: {  	[tilespmem:s16], [sflag:$0x1] =	stream.indirect_vreg.gather [hbm4b:s4+s3], $0x80, v4, vm0, $0xb8;
	[tilespmem:$0x8080] =	vst v63  }
0xc4: {  	v3 =	vadd.s32 v1, v3  }
0xc5: {  	[tilespmem:s17], [sflag:$0x1] =	stream.indirect_vreg.gather [hbm4b:s5+s3], $0x80, v4, vm0, $0xb8;
	[tilespmem:$0x8080] =	vst v63  }
0xc6: {  	_ = 	snop  }
0xc7: {  	[tilespmem:s18], [sflag:$0x1] =	stream.indirect_vreg.gather [hbm4b:s6+s3], $0x80, v4, vm0, $0xb8;
	[tilespmem:$0x8080] =	vst v63  }
0xc8: {  	_ = 	snop  }
0xc9: {  	[tilespmem:s19], [sflag:$0x1] =	stream.indirect_vreg.gather [hbm4b:s1+s3], $0x80, v3, vm0, $0xb8;
	[tilespmem:$0x8080] =	vst v63  }
0xca: {  	_ = 	snop  }
0xcb: {  	[tilespmem:s20], [sflag:$0x1] =	stream.indirect_vreg.gather [hbm4b:s4+s3], $0x80, v3, vm0, $0xb8;
	[tilespmem:$0x8080] =	vst v63  }
0xcc: {  	_ = 	snop  }
0xcd: {  	[tilespmem:s21], [sflag:$0x1] =	stream.indirect_vreg.gather [hbm4b:s5+s3], $0x80, v3, vm0, $0xb8;
	[tilespmem:$0x8080] =	vst v63  }
0xce: {  	_ = 	snop  }
0xcf: {  	[tilespmem:s22], [sflag:$0x1] =	stream.indirect_vreg.gather [hbm4b:s6+s3], $0x80, v3, vm0, $0xb8;
	[tilespmem:$0x8080] =	vst v63  }
0xd0: {  	v3 =	vld [tilespmem:$0x10];
	_ =	sdelay $0x4  }
0xd1: {  	v63 =	vshll.u32 v3, $0x3  }
0xd2: {  	v3 =	vand.u32 $0x7, v3;
	v4 =	vand.u32 $0xFFFFFFC0, v63  }
0xd3: {  	v3 =	vor.u32 v3, v4  }
0xd4: {  	v4 =	vperm.xlane v3, v0;
	_ =	sdelay $0x1  }
0xd5: {  	v4 =	vadd.s32 v1, v4;
	_ =	sdelay $0x4  }
0xd6: {  	[tilespmem:s23], [sflag:$0x1] =	stream.indirect_vreg.gather [hbm4b:s1+s3], $0x80, v4, vm0, $0xb8;
	[tilespmem:$0x8080] =	vst v63  }
0xd7: {  	v3 =	vperm.xlane v3, v2  }
0xd8: {  	[tilespmem:s24], [sflag:$0x1] =	stream.indirect_vreg.gather [hbm4b:s4+s3], $0x80, v4, vm0, $0xb8;
	[tilespmem:$0x8080] =	vst v63  }
0xd9: {  	v3 =	vadd.s32 v1, v3  }
0xda: {  	[tilespmem:s25], [sflag:$0x1] =	stream.indirect_vreg.gather [hbm4b:s5+s3], $0x80, v4, vm0, $0xb8;
	[tilespmem:$0x8080] =	vst v63  }
0xdb: {  	_ = 	snop  }
0xdc: {  	[tilespmem:s26], [sflag:$0x1] =	stream.indirect_vreg.gather [hbm4b:s6+s3], $0x80, v4, vm0, $0xb8;
	[tilespmem:$0x8080] =	vst v63  }
0xdd: {  	_ = 	snop  }
0xde: {  	[tilespmem:s28], [sflag:$0x1] =	stream.indirect_vreg.gather [hbm4b:s1+s3], $0x80, v3, vm0, $0xb8;
	[tilespmem:$0x8080] =	vst v63  }
0xdf: {  	_ = 	snop  }
0xe0: {  	[tilespmem:s29], [sflag:$0x1] =	stream.indirect_vreg.gather [hbm4b:s4+s3], $0x80, v3, vm0, $0xb8;
	[tilespmem:$0x8080] =	vst v63  }
0xe1: {  	_ = 	snop  }
0xe2: {  	[tilespmem:s30], [sflag:$0x1] =	stream.indirect_vreg.gather [hbm4b:s5+s3], $0x80, v3, vm0, $0xb8;
	[tilespmem:$0x8080] =	vst v63  }
0xe3: {  	_ = 	snop  }
0xe4: {  	[tilespmem:s31], [sflag:$0x1] =	stream.indirect_vreg.gather [hbm4b:s6+s3], $0x80, v3, vm0, $0xb8;
	[tilespmem:$0x8080] =	vst v63  }
0xe5: {  	_ =	swait.ge [sflag:s0], $0x8000  }
0xe6: {  	p0 =	sne.s32 s13, $0x1;
	[sflag:s0] =	ssyncset.done $0x0  }
.Ltmp0:
0xe7: {  	[sflag:s0] =	ssyncadd.s32 $0xFFFF8000;
	(pc) =	sbr.rel @p0 .LBB2_1-.Ltmp0, $4  }
0xe8: {  	[hbm4b:s12+s3] =	stream.linear.scatter [tilespmem:s15], [sflag:$0x2], $0x8000, $0x38;
	[tilespmem:$0x8080] =	vst v63  }
0xe9: {  	_ =	swait.ge [sflag:s14], $0x8000  }
0xea: {  	[sflag:s14] =	ssyncset.done $0x0  }
0xeb: {  	s13 =	sadd.s32 $0xFFFFFFFF, s13;
	[sflag:s14] =	ssyncadd.s32 $0xFFFF8000  }
0xec: {  	_ =	sfence.sel $0x180000  }
0xed: {  	[bflag:$0x0] =	sbarrier.arrive $0xFFFF  }
0xee: {  	_ =	strace $0x90000047  }
0xef: {  	s0 =	stileid.u32;
	[bflag:$0x2] =	sbarrier.arrive $0xFFFF  }
0xf0: {  	p0 =	sne.s32 s0, $0x0;
	s0 =	rddreg [dreg:$0x3]  }
0xf1: {  	s0 =	sadd.s32 @!p0 $0x100000, s0  }
0xf2: {  	[sflag:s0] =	ssyncadd.tile.s32 @!p0 $0x1;
	_ =	shalt  }
.Lfunc_end2:
_tile_overlayer_lowered:
.L_overlay_start_2:
0xf3: {  	(tag) =	ssettag $0x2  }
0xf4: {  	s0 =	rddreg [dreg:$0x0];
	s2 =	stileid.u32  }
0xf5: {  	s1 =	rddreg [dreg:$0x1];
	p0 =	sne.s32 s2, $0x0  }
0xf6: {  	s3 =	rddreg [dreg:$0x2];
	[bflag:$0x3] =	sbarrier.arrive $0xFFFF;
	s2 =	simm.s32 @!p0 $0x1C02  }
0xf7: {  	[timem:s3], [sflag:s2] =	dma.local @!p0 [hbm:s0], s1  }
0xf8: {  	s0 =	simm.s32 @!p0 $0x2  }
0xf9: {  	_ =	swait.ge @!p0 [sflag:s0], s1  }
0xfa: {  	s1 =	ssub.s32 @!p0 $0x0, s1;
	[sflag:s0] =	ssyncset.done @!p0 $0x0  }
0xfb: {  	[sflag:s0] =	ssyncadd.s32 @!p0 s1  }
0xfc: {  	[bflag:$0x3] =	sbarrier.arrive $0xFFFF  }
0xfd: {  	_ =	shalt  }

</sc_bundles>
